<compile_context>
chip_gen: v7x
topology: tpu7x:2x2x1
jax: 0.10.2.dev20260603
libtpu: 0.0.44.dev20260713+nightly
codegen_flags: <defaults>
</compile_context>

<pallas_src>
import jax
import jax.numpy as jnp
from jax import lax
from jax.experimental import pallas as pl
from jax.experimental.pallas import tpu as pltpu

N = 100000
D_FEAT = 128
GRID = 128
TOPK = 128
SCORE_THRES = 0.1
CENTROID_THRES = 0.2

_BLK = 4000
_NBLK = N // _BLK


def _mlp_body(x_ref, off_ref, mask_ref,
              w1t_ref, b1_ref, w2t_ref, b2_ref, wh_ref,
              s_ref, vals_ref):
    xt = x_ref[...].T
    h = jnp.maximum(
        jnp.dot(w1t_ref[...], xt, preferred_element_type=jnp.float32)
        + b1_ref[...], 0.0)
    h = jnp.maximum(
        jnp.dot(w2t_ref[...], h, preferred_element_type=jnp.float32)
        + b2_ref[...], 0.0)
    logit = jnp.sum(h * wh_ref[...], axis=0) + off_ref[0, 0, :]
    s = jax.nn.sigmoid(logit)
    s_ref[0, 0, :] = s
    valid = (mask_ref[0, 0, :] > 0.0) & (s > SCORE_THRES)
    vals_ref[0, 0, :] = jnp.where(valid, s, 0.0)


def _decoder_scores(feats, off, maskf, W1, b1, W2, b2, Wh, bh):
    vec = lambda n: pl.BlockSpec((1, 1, n), lambda i: (i, 0, 0))
    grid_spec = pl.GridSpec(
        grid=(_NBLK,),
        in_specs=[
            pl.BlockSpec((_BLK, D_FEAT), lambda i: (i, 0)),
            vec(_BLK), vec(_BLK),
            pl.BlockSpec((64, D_FEAT), lambda i: (0, 0)),
            pl.BlockSpec((64, 1), lambda i: (0, 0)),
            pl.BlockSpec((32, 64), lambda i: (0, 0)),
            pl.BlockSpec((32, 1), lambda i: (0, 0)),
            pl.BlockSpec((32, 1), lambda i: (0, 0)),
        ],
        out_specs=[vec(_BLK), vec(_BLK)],
    )
    offb = (off + bh[0]).reshape(_NBLK, 1, _BLK)
    s3, vals3 = pl.pallas_call(
        _mlp_body,
        grid_spec=grid_spec,
        out_shape=[
            jax.ShapeDtypeStruct((_NBLK, 1, _BLK), jnp.float32),
            jax.ShapeDtypeStruct((_NBLK, 1, _BLK), jnp.float32),
        ],
    )(feats, offb, maskf.reshape(_NBLK, 1, _BLK),
      W1.T, b1.reshape(64, 1), W2.T, b2.reshape(32, 1), Wh)
    return s3.reshape(N, 1), vals3.reshape(N)



_TBLK = 4000


def _topk_body(cand_ref, conf_ref, idx_ref):
    x = cand_ref[...].reshape(_NBLK, _TBLK)
    pos = (lax.broadcasted_iota(jnp.int32, (_NBLK, _TBLK), 0) * _TBLK
           + lax.broadcasted_iota(jnp.int32, (_NBLK, _TBLK), 1))
    lanes = lax.broadcasted_iota(jnp.int32, (1, TOPK), 1)
    conf0 = jnp.full((1, TOPK), -1.0, jnp.float32)
    idx0 = jnp.zeros((1, TOPK), jnp.int32)

    def cond(st):
        k, more, _, _, _ = st
        return (k < TOPK) & more

    def body(st):
        k, _, x_c, conf_c, idx_c = st
        m = jnp.max(x_c)
        am = jnp.min(jnp.where(x_c == m, pos, jnp.int32(2 ** 30)))
        conf_c = jnp.where(lanes == k, m, conf_c)
        idx_c = jnp.where(lanes == k, am, idx_c)
        x_c = jnp.where(pos == am, -2.0, x_c)
        return (k + 1, m > -1.0, x_c, conf_c, idx_c)

    _, _, _, conf, idx = lax.while_loop(
        cond, body, (jnp.int32(0), True, x, conf0, idx0))
    conf_ref[...] = conf
    idx_ref[...] = idx


def _topk128(cand):
    conf, idx = pl.pallas_call(
        _topk_body,
        grid_spec=pl.GridSpec(
            grid=(1,),
            in_specs=[pl.BlockSpec((_NBLK, 1, _TBLK), lambda i: (0, 0, 0))],
            out_specs=[
                pl.BlockSpec((1, TOPK), lambda i: (0, 0)),
                pl.BlockSpec((1, TOPK), lambda i: (0, 0)),
            ],
        ),
        out_shape=[
            jax.ShapeDtypeStruct((1, TOPK), jnp.float32),
            jax.ShapeDtypeStruct((1, TOPK), jnp.int32),
        ],
    )(cand.reshape(_NBLK, 1, _TBLK))
    return conf.reshape(TOPK), idx.reshape(TOPK)


def kernel(feats, centroid_scores_off, mask, coords,
           dec_W1, dec_b1, dec_W2, dec_b2, dec_Wh, dec_bh,
           desc_W1, desc_b1, desc_W2, desc_b2, desc_Wh, desc_bh):
    maskf = mask.astype(jnp.float32).reshape(N, 1)
    s, vals = _decoder_scores(
        feats, centroid_scores_off, maskf,
        dec_W1, dec_b1, dec_W2, dec_b2, dec_Wh, dec_bh)
    s1 = s[:, 0]
    valid = mask & (s1 > SCORE_THRES)

    grid = jnp.zeros((GRID, GRID, GRID), jnp.float32)
    grid = grid.at[coords[:, 1], coords[:, 2], coords[:, 3]].max(vals)
    hmax = jax.lax.reduce_window(grid, -jnp.inf, jax.lax.max,
                                 (3, 3, 3), (1, 1, 1), "SAME")
    h_at = hmax[coords[:, 1], coords[:, 2], coords[:, 3]]
    peak = valid & (h_at == s1) & (s1 > CENTROID_THRES)

    cand = jnp.where(peak, s1, -1.0)
    conf, idx = _topk128(cand)
    conf = jnp.maximum(conf, 0.0)[:, None]

    x = feats[idx]
    h = jax.nn.relu(x @ desc_W1 + desc_b1)
    h = jax.nn.relu(h @ desc_W2 + desc_b2)
    desc = h @ desc_Wh + desc_bh
    norm = jnp.sqrt(jnp.sum(desc * desc, axis=1, keepdims=True))
    desc_n = desc / jnp.maximum(norm, 1e-12)
    out_desc = conf * desc_n
    return (s, out_desc, conf)

# --- scband reference (transcript-rebuilt; emitter-appended) ---
"""Pipeline reference for scband-centroid-head-69200513073483 (READ-ONLY COPY).

The authoritative reference and input builder live on the scoring server;
editing this copy changes nothing except your own understanding.
"""

import jax, jax.numpy as jnp
import numpy as np
import math

N = 100000
D_FEAT = 128
GRID = 128
TOPK = 128
SCORE_THRES = 0.1
CENTROID_THRES = 0.2


def _mlp(x, W1, b1, W2, b2, Wh, bh):
    h = jax.nn.relu(x @ W1 + b1)
    h = jax.nn.relu(h @ W2 + b2)
    return h @ Wh + bh


def setup_inputs(seed: int = 0):
    key = jax.random.key(seed)
    ks = jax.random.split(key, 20)
    feats = jax.random.normal(ks[0], (N, D_FEAT), dtype=jnp.float32)
    centroid_scores_off = jax.random.normal(ks[1], (N, 1), dtype=jnp.float32) * 0.1
    mask = jax.random.randint(ks[2], (N,), 0, 2) == 1
    coords = jax.random.randint(ks[3], (N, 4), 0, GRID).astype(jnp.int32)
    coords = coords.at[:, 0].set(0)

    def lin(k, fi, fo):
        return jax.random.normal(k, (fi, fo), dtype=jnp.float32) * (1.0 / np.sqrt(fi))

    init_bias = math.log(0.01 / (1.0 - 0.01))
    return {
        "feats": feats,
        "centroid_scores_off": centroid_scores_off,
        "mask": mask,
        "coords": coords,
        "dec_W1": lin(ks[4], D_FEAT, 64), "dec_b1": jnp.zeros((64,), jnp.float32),
        "dec_W2": lin(ks[5], 64, 32), "dec_b2": jnp.zeros((32,), jnp.float32),
        "dec_Wh": lin(ks[6], 32, 1), "dec_bh": jnp.full((1,), init_bias, jnp.float32),
        "desc_W1": lin(ks[7], D_FEAT, 64), "desc_b1": jnp.zeros((64,), jnp.float32),
        "desc_W2": lin(ks[8], 64, 32), "desc_b2": jnp.zeros((32,), jnp.float32),
        "desc_Wh": lin(ks[9], 32, 16), "desc_bh": jnp.zeros((16,), jnp.float32),
    }


def reference(feats, centroid_scores_off, mask, coords,
              dec_W1, dec_b1, dec_W2, dec_b2, dec_Wh, dec_bh,
              desc_W1, desc_b1, desc_W2, desc_b2, desc_Wh, desc_bh):
    # decoder: pointwise feature decoder + aux residual, then sigmoid
    logits = _mlp(feats, dec_W1, dec_b1, dec_W2, dec_b2, dec_Wh, dec_bh) + centroid_scores_off
    s = jax.nn.sigmoid(logits)  # [N, 1] centroid scores
    s1 = s[:, 0]

    # _find_centroid_peaks: score threshold, sparse 3x3x3 max pool, peak = local max
    valid = mask & (s1 > SCORE_THRES)
    vals = jnp.where(valid, s1, 0.0)
    grid = jnp.zeros((GRID, GRID, GRID), jnp.float32)
    grid = grid.at[coords[:, 1], coords[:, 2], coords[:, 3]].max(vals)
    hmax = jax.lax.reduce_window(grid, -jnp.inf, jax.lax.max, (3, 3, 3), (1, 1, 1), "SAME")
    h_at = hmax[coords[:, 1], coords[:, 2], coords[:, 3]]
    peak = valid & (h_at == s1) & (s1 > CENTROID_THRES)

    # static-shape top-128 peak selection (non-peaks padded with -1)
    cand = jnp.where(peak, s1, -1.0)
    conf, idx = jax.lax.top_k(cand, TOPK)
    conf = jnp.maximum(conf, 0.0)[:, None]  # [128, 1] centroid confidences

    # descriptor decoder evaluated at peak indices, L2-normalized, scaled by confidence
    desc = _mlp(feats[idx], desc_W1, desc_b1, desc_W2, desc_b2, desc_Wh, desc_bh)
    norm = jnp.sqrt(jnp.sum(desc * desc, axis=1, keepdims=True))
    desc_n = desc / jnp.maximum(norm, 1e-12)
    out_desc = conf * desc_n  # [128, 16]

    return (s, out_desc, conf)

if __name__ == "__main__":
    import jax
    _d = setup_inputs()
    print(jax.jit(kernel)(*tuple(_d.values())))

</pallas_src>

<mosaic_0001>
module attributes {stable_mosaic.version = 14 : i64} {
  func.func @_mlp_body(%arg0: i32, %arg1: memref<4000x128xf32, #tpu.memory_space<vmem>>, %arg2: memref<1x1x4000xf32, #tpu.memory_space<vmem>>, %arg3: memref<1x1x4000xf32, #tpu.memory_space<vmem>>, %arg4: memref<64x128xf32, #tpu.memory_space<vmem>>, %arg5: memref<64x1xf32, #tpu.memory_space<vmem>>, %arg6: memref<32x64xf32, #tpu.memory_space<vmem>>, %arg7: memref<32x1xf32, #tpu.memory_space<vmem>>, %arg8: memref<32x1xf32, #tpu.memory_space<vmem>>, %arg9: memref<1x1x4000xf32, #tpu.memory_space<vmem>>, %arg10: memref<1x1x4000xf32, #tpu.memory_space<vmem>>) attributes {dimension_semantics = [#tpu.dimension_semantics<arbitrary>], iteration_bounds = array<i64: 25>, scalar_prefetch = 0 : i64, scratch_operands = 0 : i64, tpu.core_type = #tpu.core_type<tc>, window_params = [{transform_indices = @transform_0, window_bounds = array<i64: 4000, 128>}, {transform_indices = @transform_1, window_bounds = array<i64: 1, 1, 4000>}, {transform_indices = @transform_2, window_bounds = array<i64: 1, 1, 4000>}, {pipeline_mode = #tpu.pipeline_mode<synchronous>, transform_indices = @transform_3, window_bounds = array<i64: 64, 128>}, {pipeline_mode = #tpu.pipeline_mode<synchronous>, transform_indices = @transform_4, window_bounds = array<i64: 64, 1>}, {pipeline_mode = #tpu.pipeline_mode<synchronous>, transform_indices = @transform_5, window_bounds = array<i64: 32, 64>}, {pipeline_mode = #tpu.pipeline_mode<synchronous>, transform_indices = @transform_6, window_bounds = array<i64: 32, 1>}, {pipeline_mode = #tpu.pipeline_mode<synchronous>, transform_indices = @transform_7, window_bounds = array<i64: 32, 1>}, {transform_indices = @transform_8, window_bounds = array<i64: 1, 1, 4000>}, {transform_indices = @transform_9, window_bounds = array<i64: 1, 1, 4000>}]} {
    %get3A = arith.constant 0 : index
    %get3A_0 = arith.constant 0 : index
    %get3A_1 = vector.load %arg1[%get3A, %get3A_0] : memref<4000x128xf32, #tpu.memory_space<vmem>>, vector<4000x128xf32>
    %transpose3A = tpu.transpose %get3A_1, [1, 0] : vector<4000x128xf32> -> vector<128x4000xf32>
    %get3A_2 = arith.constant 0 : index
    %get3A_3 = arith.constant 0 : index
    %get3A_4 = vector.load %arg4[%get3A_2, %get3A_3] : memref<64x128xf32, #tpu.memory_space<vmem>>, vector<64x128xf32>
    %dot_general3A = arith.constant dense<0.000000e+00> : vector<64x4000xf32>
    %dot_general3A_5 = tpu.matmul %get3A_4, %transpose3A, %dot_general3A {dimension_numbers = #tpu.dot_dimension_numbers<[1], [0], [0], [1], [0, 0, 1, 1], [], []>, transpose_lhs_hint = false} : vector<64x128xf32>, vector<128x4000xf32>, vector<64x4000xf32> -> vector<64x4000xf32>
    %get3A_6 = arith.constant 0 : index
    %get3A_7 = arith.constant 0 : index
    %get3A_8 = vector.load %arg5[%get3A_6, %get3A_7] : memref<64x1xf32, #tpu.memory_space<vmem>>, vector<64x1xf32>
    %add3A = vector.broadcast %get3A_8 : vector<64x1xf32> to vector<64x4000xf32>
    %add3A_9 = arith.addf %dot_general3A_5, %add3A : vector<64x4000xf32>
    %max3A = arith.constant 0.000000e+00 : f32
    %max3A_10 = vector.broadcast %max3A : f32 to vector<64x4000xf32>
    %max3A_11 = arith.maximumf %add3A_9, %max3A_10 : vector<64x4000xf32>
    %get3A_12 = arith.constant 0 : index
    %get3A_13 = arith.constant 0 : index
    %get3A_14 = vector.load %arg6[%get3A_12, %get3A_13] : memref<32x64xf32, #tpu.memory_space<vmem>>, vector<32x64xf32>
    %dot_general3A_15 = arith.constant dense<0.000000e+00> : vector<32x4000xf32>
    %dot_general3A_16 = tpu.matmul %get3A_14, %max3A_11, %dot_general3A_15 {dimension_numbers = #tpu.dot_dimension_numbers<[1], [0], [0], [1], [0, 0, 1, 1], [], []>, transpose_lhs_hint = false} : vector<32x64xf32>, vector<64x4000xf32>, vector<32x4000xf32> -> vector<32x4000xf32>
    %get3A_17 = arith.constant 0 : index
    %get3A_18 = arith.constant 0 : index
    %get3A_19 = vector.load %arg7[%get3A_17, %get3A_18] : memref<32x1xf32, #tpu.memory_space<vmem>>, vector<32x1xf32>
    %add3A_20 = vector.broadcast %get3A_19 : vector<32x1xf32> to vector<32x4000xf32>
    %add3A_21 = arith.addf %dot_general3A_16, %add3A_20 : vector<32x4000xf32>
    %max3A_22 = arith.constant 0.000000e+00 : f32
    %max3A_23 = vector.broadcast %max3A_22 : f32 to vector<32x4000xf32>
    %max3A_24 = arith.maximumf %add3A_21, %max3A_23 : vector<32x4000xf32>
    %get3A_25 = arith.constant 0 : index
    %get3A_26 = arith.constant 0 : index
    %get3A_27 = vector.load %arg8[%get3A_25, %get3A_26] : memref<32x1xf32, #tpu.memory_space<vmem>>, vector<32x1xf32>
    %mul3A = vector.broadcast %get3A_27 : vector<32x1xf32> to vector<32x4000xf32>
    %mul3A_28 = arith.mulf %max3A_24, %mul3A : vector<32x4000xf32>
    %reduce_sum3A = arith.constant dense<0.000000e+00> : vector<4000xf32>
    %reduce_sum3A_29 = vector.multi_reduction <add>, %mul3A_28, %reduce_sum3A [0] : vector<32x4000xf32> to vector<4000xf32>
    %get3A_30 = arith.constant 0 : index
    %get3A_31 = arith.constant 0 : index
    %get3A_32 = arith.constant 0 : index
    %get3A_33 = vector.load %arg2[%get3A_30, %get3A_31, %get3A_32] : memref<1x1x4000xf32, #tpu.memory_space<vmem>>, vector<1x1x4000xf32>
    %get3A_34 = vector.shape_cast %get3A_33 : vector<1x1x4000xf32> to vector<4000xf32>
    %add3A_35 = arith.addf %reduce_sum3A_29, %get3A_34 : vector<4000xf32>
    %logistic3A = arith.negf %add3A_35 : vector<4000xf32>
    %logistic3A_36 = math.exp %logistic3A : vector<4000xf32>
    %logistic3A_37 = arith.constant 1.000000e+00 : f32
    %logistic3A_38 = vector.broadcast %logistic3A_37 : f32 to vector<4000xf32>
    %logistic3A_39 = arith.addf %logistic3A_38, %logistic3A_36 : vector<4000xf32>
    %logistic3A_40 = arith.divf %logistic3A_38, %logistic3A_39 : vector<4000xf32>
    %swap3A = arith.constant 0 : index
    %swap3A_41 = arith.constant 0 : index
    %swap3A_42 = arith.constant 0 : index
    %swap3A_43 = vector.load %arg9[%swap3A, %swap3A_41, %swap3A_42] : memref<1x1x4000xf32, #tpu.memory_space<vmem>>, vector<1x1x4000xf32>
    %swap3A_44 = vector.shape_cast %swap3A_43 : vector<1x1x4000xf32> to vector<4000xf32>
    %swap3A_45 = vector.shape_cast %logistic3A_40 : vector<4000xf32> to vector<1x1x4000xf32>
    tpu.vector_store %arg9[%swap3A, %swap3A_41, %swap3A_42], %swap3A_45 {strides = array<i32>} : memref<1x1x4000xf32, #tpu.memory_space<vmem>>, vector<1x1x4000xf32>,
    %get3A_46 = arith.constant 0 : index
    %get3A_47 = arith.constant 0 : index
    %get3A_48 = arith.constant 0 : index
    %get3A_49 = vector.load %arg3[%get3A_46, %get3A_47, %get3A_48] : memref<1x1x4000xf32, #tpu.memory_space<vmem>>, vector<1x1x4000xf32>
    %get3A_50 = vector.shape_cast %get3A_49 : vector<1x1x4000xf32> to vector<4000xf32>
    %gt3A = arith.constant 0.000000e+00 : f32
    %gt3A_51 = vector.broadcast %gt3A : f32 to vector<4000xf32>
    %gt3A_52 = arith.cmpf ogt, %get3A_50, %gt3A_51 : vector<4000xf32>
    %gt3A_53 = arith.constant 1.000000e-01 : f32
    %gt3A_54 = vector.broadcast %gt3A_53 : f32 to vector<4000xf32>
    %gt3A_55 = arith.cmpf ogt, %logistic3A_40, %gt3A_54 : vector<4000xf32>
    %and3A = arith.andi %gt3A_52, %gt3A_55 : vector<4000xi1>
    %jit3A = arith.constant 0.000000e+00 : f32
    %broadcast_in_dim3A = vector.broadcast %jit3A : f32 to vector<4000xf32>
    %select_n3A = arith.select %and3A, %logistic3A_40, %broadcast_in_dim3A : vector<4000xi1>, vector<4000xf32>
    %swap3A_56 = arith.constant 0 : index
    %swap3A_57 = arith.constant 0 : index
    %swap3A_58 = arith.constant 0 : index
    %swap3A_59 = vector.load %arg10[%swap3A_56, %swap3A_57, %swap3A_58] : memref<1x1x4000xf32, #tpu.memory_space<vmem>>, vector<1x1x4000xf32>
    %swap3A_60 = vector.shape_cast %swap3A_59 : vector<1x1x4000xf32> to vector<4000xf32>
    %swap3A_61 = vector.shape_cast %select_n3A : vector<4000xf32> to vector<1x1x4000xf32>
    tpu.vector_store %arg10[%swap3A_56, %swap3A_57, %swap3A_58], %swap3A_61 {strides = array<i32>} : memref<1x1x4000xf32, #tpu.memory_space<vmem>>, vector<1x1x4000xf32>,
    return
  }
  func.func @transform_0(%arg0: i32) -> (i32, i32) {
    %c0_i32 = arith.constant 0 : i32
    %c0_i32_0 = arith.constant 0 : i32
    return %arg0, %c0_i32 : i32, i32
  }
  func.func @transform_1(%arg0: i32) -> (i32, i32, i32) {
    %c0_i32 = arith.constant 0 : i32
    %c0_i32_0 = arith.constant 0 : i32
    %c0_i32_1 = arith.constant 0 : i32
    return %arg0, %c0_i32, %c0_i32_0 : i32, i32, i32
  }
  func.func @transform_2(%arg0: i32) -> (i32, i32, i32) {
    %c0_i32 = arith.constant 0 : i32
    %c0_i32_0 = arith.constant 0 : i32
    %c0_i32_1 = arith.constant 0 : i32
    return %arg0, %c0_i32, %c0_i32_0 : i32, i32, i32
  }
  func.func @transform_3(%arg0: i32) -> (i32, i32) {
    %c0_i32 = arith.constant 0 : i32
    %c0_i32_0 = arith.constant 0 : i32
    %c0_i32_1 = arith.constant 0 : i32
    return %c0_i32, %c0_i32_0 : i32, i32
  }
  func.func @transform_4(%arg0: i32) -> (i32, i32) {
    %c0_i32 = arith.constant 0 : i32
    %c0_i32_0 = arith.constant 0 : i32
    %c0_i32_1 = arith.constant 0 : i32
    return %c0_i32, %c0_i32_0 : i32, i32
  }
  func.func @transform_5(%arg0: i32) -> (i32, i32) {
    %c0_i32 = arith.constant 0 : i32
    %c0_i32_0 = arith.constant 0 : i32
    %c0_i32_1 = arith.constant 0 : i32
    return %c0_i32, %c0_i32_0 : i32, i32
  }
  func.func @transform_6(%arg0: i32) -> (i32, i32) {
    %c0_i32 = arith.constant 0 : i32
    %c0_i32_0 = arith.constant 0 : i32
    %c0_i32_1 = arith.constant 0 : i32
    return %c0_i32, %c0_i32_0 : i32, i32
  }
  func.func @transform_7(%arg0: i32) -> (i32, i32) {
    %c0_i32 = arith.constant 0 : i32
    %c0_i32_0 = arith.constant 0 : i32
    %c0_i32_1 = arith.constant 0 : i32
    return %c0_i32, %c0_i32_0 : i32, i32
  }
  func.func @transform_8(%arg0: i32) -> (i32, i32, i32) {
    %c0_i32 = arith.constant 0 : i32
    %c0_i32_0 = arith.constant 0 : i32
    %c0_i32_1 = arith.constant 0 : i32
    return %arg0, %c0_i32, %c0_i32_0 : i32, i32, i32
  }
  func.func @transform_9(%arg0: i32) -> (i32, i32, i32) {
    %c0_i32 = arith.constant 0 : i32
    %c0_i32_0 = arith.constant 0 : i32
    %c0_i32_1 = arith.constant 0 : i32
    return %arg0, %c0_i32, %c0_i32_0 : i32, i32, i32
  }
}

module attributes {stable_mosaic.version = 14 : i64} {
  func.func @_topk_body(%arg0: i32, %arg1: memref<25x1x4000xf32, #tpu.memory_space<vmem>>, %arg2: memref<1x128xf32, #tpu.memory_space<vmem>>, %arg3: memref<1x128xi32, #tpu.memory_space<vmem>>) attributes {dimension_semantics = [#tpu.dimension_semantics<arbitrary>], iteration_bounds = array<i64: 1>, scalar_prefetch = 0 : i64, scratch_operands = 0 : i64, tpu.core_type = #tpu.core_type<tc>, window_params = [{pipeline_mode = #tpu.pipeline_mode<synchronous>, transform_indices = @transform_0, window_bounds = array<i64: 25, 1, 4000>}, {pipeline_mode = #tpu.pipeline_mode<synchronous>, transform_indices = @transform_1, window_bounds = array<i64: 1, 128>}, {pipeline_mode = #tpu.pipeline_mode<synchronous>, transform_indices = @transform_2, window_bounds = array<i64: 1, 128>}]} {
    %get3A = arith.constant 0 : index
    %get3A_0 = arith.constant 0 : index
    %get3A_1 = arith.constant 0 : index
    %get3A_2 = vector.load %arg1[%get3A, %get3A_0, %get3A_1] : memref<25x1x4000xf32, #tpu.memory_space<vmem>>, vector<25x1x4000xf32>
    %reshape3A = vector.shape_cast %get3A_2 : vector<25x1x4000xf32> to vector<25x4000xf32>
    %iota3A = tpu.iota {dimensions = array<i32: 0>} : vector<25x4000xi32>
    %mul3A = arith.constant 4000 : i32
    %mul3A_3 = vector.broadcast %mul3A : i32 to vector<25x4000xi32>
    %mul3A_4 = arith.muli %iota3A, %mul3A_3 : vector<25x4000xi32>
    %iota3A_5 = tpu.iota {dimensions = array<i32: 1>} : vector<25x4000xi32>
    %add3A = arith.addi %mul3A_4, %iota3A_5 : vector<25x4000xi32>
    %iota3A_6 = tpu.iota {dimensions = array<i32: 1>} : vector<1x128xi32>
    %broadcast_in_dim3A = arith.constant -1.000000e+00 : f32
    %broadcast_in_dim3A_7 = vector.broadcast %broadcast_in_dim3A : f32 to vector<1x128xf32>
    %broadcast_in_dim3A_8 = arith.constant 0 : i32
    %broadcast_in_dim3A_9 = vector.broadcast %broadcast_in_dim3A_8 : i32 to vector<1x128xi32>
    %while3A = arith.constant 0 : i32
    %while3A_10 = arith.constant true
    %while3A_11:5 = scf.while (%while3A_17 = %while3A, %while3A_18 = %while3A_10, %while3A_19 = %reshape3A, %while3A_20 = %broadcast_in_dim3A_7, %while3A_21 = %broadcast_in_dim3A_9) : (i32, i1, vector<25x4000xf32>, vector<1x128xf32>, vector<1x128xi32>) -> (i32, i1, vector<25x4000xf32>, vector<1x128xf32>, vector<1x128xi32>) {
      %lt3A = arith.constant 128 : i32
      %lt3A_22 = arith.cmpi slt, %while3A_17, %lt3A : i32
      %and3A = arith.andi %lt3A_22, %while3A_18 : i1
      scf.condition(%and3A) %while3A_17, %while3A_18, %while3A_19, %while3A_20, %while3A_21 : i32, i1, vector<25x4000xf32>, vector<1x128xf32>, vector<1x128xi32>
    } do {
    ^bb0(%while3A_17: i32, %while3A_18: i1, %while3A_19: vector<25x4000xf32>, %while3A_20: vector<1x128xf32>, %while3A_21: vector<1x128xi32>):
      %reduce_max3A = vector.shape_cast %while3A_19 : vector<25x4000xf32> to vector<1x25x4000xf32>
      %reduce_max3A_22 = arith.constant dense<0xFF800000> : vector<1xf32>
      %reduce_max3A_23 = vector.multi_reduction <maximumf>, %reduce_max3A, %reduce_max3A_22 [1, 2] : vector<1x25x4000xf32> to vector<1xf32>
      %reduce_max3A_24 = vector.shape_cast %reduce_max3A_23 : vector<1xf32> to vector<1x1x1xf32>
      %reduce_max3A_25 = vector.extract %reduce_max3A_24[0, 0, 0] : f32 from vector<1x1x1xf32>
      %eq3A = vector.broadcast %reduce_max3A_25 : f32 to vector<25x4000xf32>
      %eq3A_26 = arith.cmpf oeq, %while3A_19, %eq3A : vector<25x4000xf32>
      %jit3A = arith.constant 1073741824 : i32
      %broadcast_in_dim3A_27 = vector.broadcast %jit3A : i32 to vector<25x4000xi32>
      %select_n3A = arith.select %eq3A_26, %add3A, %broadcast_in_dim3A_27 : vector<25x4000xi1>, vector<25x4000xi32>
      %reduce_min3A = vector.shape_cast %select_n3A : vector<25x4000xi32> to vector<1x25x4000xi32>
      %reduce_min3A_28 = arith.constant dense<2147483647> : vector<1xi32>
      %reduce_min3A_29 = vector.multi_reduction <minsi>, %reduce_min3A, %reduce_min3A_28 [1, 2] : vector<1x25x4000xi32> to vector<1xi32>
      %reduce_min3A_30 = vector.shape_cast %reduce_min3A_29 : vector<1xi32> to vector<1x1x1xi32>
      %reduce_min3A_31 = vector.extract %reduce_min3A_30[0, 0, 0] : i32 from vector<1x1x1xi32>
      %eq3A_32 = vector.broadcast %while3A_17 : i32 to vector<1x128xi32>
      %eq3A_33 = arith.cmpi eq, %iota3A_6, %eq3A_32 : vector<1x128xi32>
      %broadcast_in_dim3A_34 = vector.broadcast %reduce_max3A_25 : f32 to vector<1x128xf32>
      %select_n3A_35 = arith.select %eq3A_33, %broadcast_in_dim3A_34, %while3A_20 : vector<1x128xi1>, vector<1x128xf32>
      %eq3A_36 = vector.broadcast %while3A_17 : i32 to vector<1x128xi32>
      %eq3A_37 = arith.cmpi eq, %iota3A_6, %eq3A_36 : vector<1x128xi32>
      %broadcast_in_dim3A_38 = vector.broadcast %reduce_min3A_31 : i32 to vector<1x128xi32>
      %select_n3A_39 = arith.select %eq3A_37, %broadcast_in_dim3A_38, %while3A_21 : vector<1x128xi1>, vector<1x128xi32>
      %eq3A_40 = vector.broadcast %reduce_min3A_31 : i32 to vector<25x4000xi32>
      %eq3A_41 = arith.cmpi eq, %add3A, %eq3A_40 : vector<25x4000xi32>
      %jit3A_42 = arith.constant -2.000000e+00 : f32
      %broadcast_in_dim3A_43 = vector.broadcast %jit3A_42 : f32 to vector<25x4000xf32>
      %select_n3A_44 = arith.select %eq3A_41, %broadcast_in_dim3A_43, %while3A_19 : vector<25x4000xi1>, vector<25x4000xf32>
      %add3A_45 = arith.constant 1 : i32
      %add3A_46 = arith.addi %while3A_17, %add3A_45 : i32
      %gt3A = arith.constant -1.000000e+00 : f32
      %gt3A_47 = arith.cmpf ogt, %reduce_max3A_25, %gt3A : f32
      scf.yield %add3A_46, %gt3A_47, %select_n3A_44, %select_n3A_35, %select_n3A_39 : i32, i1, vector<25x4000xf32>, vector<1x128xf32>, vector<1x128xi32>
    }
    %swap3A = arith.constant 0 : index
    %swap3A_12 = arith.constant 0 : index
    %swap3A_13 = vector.load %arg2[%swap3A, %swap3A_12] : memref<1x128xf32, #tpu.memory_space<vmem>>, vector<1x128xf32>
    tpu.vector_store %arg2[%swap3A, %swap3A_12], %while3A_11#3 {strides = array<i32>} : memref<1x128xf32, #tpu.memory_space<vmem>>, vector<1x128xf32>,
    %swap3A_14 = arith.constant 0 : index
    %swap3A_15 = arith.constant 0 : index
    %swap3A_16 = vector.load %arg3[%swap3A_14, %swap3A_15] : memref<1x128xi32, #tpu.memory_space<vmem>>, vector<1x128xi32>
    tpu.vector_store %arg3[%swap3A_14, %swap3A_15], %while3A_11#4 {strides = array<i32>} : memref<1x128xi32, #tpu.memory_space<vmem>>, vector<1x128xi32>,
    return
  }
  func.func @transform_0(%arg0: i32) -> (i32, i32, i32) {
    %c0_i32 = arith.constant 0 : i32
    %c0_i32_0 = arith.constant 0 : i32
    %c0_i32_1 = arith.constant 0 : i32
    %c0_i32_2 = arith.constant 0 : i32
    return %c0_i32, %c0_i32_0, %c0_i32_1 : i32, i32, i32
  }
  func.func @transform_1(%arg0: i32) -> (i32, i32) {
    %c0_i32 = arith.constant 0 : i32
    %c0_i32_0 = arith.constant 0 : i32
    %c0_i32_1 = arith.constant 0 : i32
    return %c0_i32, %c0_i32_0 : i32, i32
  }
  func.func @transform_2(%arg0: i32) -> (i32, i32) {
    %c0_i32 = arith.constant 0 : i32
    %c0_i32_0 = arith.constant 0 : i32
    %c0_i32_1 = arith.constant 0 : i32
    return %c0_i32, %c0_i32_0 : i32, i32
  }
}

</mosaic_0001>

<sc_bundles>
// kernel: gather_offload_async_start
scs
__scs_entry_jumppad:
0x0: {  	(pc) =	sbr.rel $0x88, $3  }
0x1: {  	(tag) =	ssettag $0x0;
	lr =	simm.s32 $0x1  }
0x2: {  	[smem:$0x3F91] =	sst lr;
	_ =	strace $0xD0000000  }
0x3: {  	_ = 	snop  }
0x4: {  	_ = 	snop  }
0x5: {  	_ = 	snop  }
0x6: {  	_ = 	snop  }
0x7: {  	_ = 	snop  }
__scs_overlays_trampoline_lowered:
0x8: {  	[smem:$0x3FA0] =	sst s0  }
0x9: {  	[smem:$0x3FA1] =	sst s1  }
0xa: {  	[smem:$0x3FA2] =	sst s2  }
0xb: {  	[smem:$0x3FA3] =	sst s3  }
0xc: {  	[smem:$0x3FA4] =	sst s4  }
0xd: {  	[smem:$0x3FA5] =	sst s5  }
0xe: {  	[smem:$0x3FA6] =	sst s6  }
0xf: {  	[smem:$0x3FA7] =	sst s7  }
0x10: {  	[smem:$0x3FA8] =	sst s8  }
0x11: {  	[smem:$0x3FA9] =	sst s9;
	s0 =	simm.s32 @!p0 $0x0  }
0x12: {  	s1 =	sld [smem:$0x3F8F];
	s0 =	simm.s32 @p0 $0x1  }
0x13: {  	[smem:$0x3FAA] =	sst s0;
	s0 =	simm.s32 @!p1 $0x0  }
0x14: {  	s2 =	sld [smem:$0x3F8E];
	s0 =	simm.s32 @p1 $0x1  }
0x15: {  	[smem:$0x3FAB] =	sst s0;
	s0 =	simm.s32 @!p2 $0x0  }
0x16: {  	s3 =	sld [smem:$0x3FDB];
	s0 =	simm.s32 @p2 $0x1  }
0x17: {  	s4 =	simm.s32 $0x1BF5;
	[smem:$0x3FAD] =	sst s0  }
0x18: {  	s0 =	sld [smem:$0x3F90];
	_ =	swait.ge [sflag:s4], $0x0  }
0x19: {  	s7 =	sld [smem:$0x3F91]  }
0x1a: {  	s8 =	sadd.s32 $0xFFFFE003, lr  }
0x1b: {  	s9 =	sadd.s32 $0xFFFFFEF7, lr;
	s5 =	simm.s32 $0xFFFFFFFF;
	p2 =	slt.u32 s8, $0xFFFFF086  }
0x1c: {  	p1 =	slt.u32 s9, $0xF7A;
	s5 =	simm.s32 @!p2 $0x0  }
0x1d: {  	s5 =	simm.s32 @p1 $0x1;
	p0 =	seq.s32 s7, s2  }
0x1e: {  	s7 =	smul.u32 @!p0 $0xF7A, s2;
	p2 =	seq.s32 @!p0 s5, $0x0  }
0x1f: {  	s9 =	smul.u32 $0xF7A, s1;
	s8 =	simm.s32 @!p0 $0x1BF5;
	p2 =	por !p2, p0  }
0x20: {  	[sflag:s8] =	ssyncset.s32 @!p0 $0xFFFFF086;
	s6 =	sadd.s32 @!p0 s3, s7;
	s7 =	simm.s32 @!p0 $0x108  }
0x21: {  	s3 =	sadd.s32 s3, s9;
	s6 =	sadd.s32 @!p0 $0x88, s6;
	s7 =	simm.s32 @p2 $0x1082  }
0x22: {  	[simem:s7], [sflag:s8] =	dma.local @!p0 [hbm:s6], $0xF7A  }
0x23: {  	s9 =	sor.u32 $0xD0000000, s2;
	s6 =	simm.s32 $0x108;
	_ =	swait.ge @!p0 [sflag:s8], $0x0  }
0x24: {  	s3 =	sadd.s32 $0x88, s3;
	s6 =	simm.s32 @!p1 $0x1082;
	[sflag:s4] =	ssyncset.s32 $0xFFFFF086  }
0x25: {  	[simem:s6], [sflag:s4] =	dma.local [hbm:s3], $0xF7A  }
0x26: {  	[smem:$0x3F91] =	sst s1;
	(tag) =	ssettag s2;
	_ =	strace s9  }
0x27: {  	s1 =	sld [smem:$0x3FA1]  }
0x28: {  	s2 =	sld [smem:$0x3FA2]  }
0x29: {  	s4 =	sld [smem:$0x3FA4]  }
0x2a: {  	p0 =	seq.s32 s5, $0x0;
	s5 =	sld [smem:$0x3FA5]  }
0x2b: {  	s6 =	sld [smem:$0x3FA6]  }
0x2c: {  	s7 =	sld [smem:$0x3FA7]  }
0x2d: {  	s3 =	simm.s32 $0x108;
	s8 =	sld [smem:$0x3FA8]  }
0x2e: {  	s3 =	simm.s32 @!p0 $0x1082;
	s9 =	sld [smem:$0x3FA9]  }
0x2f: {  	lr =	sadd.s32 s0, s3;
	s0 =	sld [smem:$0x3FA0]  }
0x30: {  	s3 =	sld [smem:$0x3FA3]  }
0x31: {  	[smem:$0x3FAC] =	sst s10  }
0x32: {  	s10 =	sld [smem:$0x3FAA];
	_ =	sdelay $0x3  }
0x33: {  	p0 =	seq.s32 s10, $0x1;
	s10 =	sld [smem:$0x3FAC];
	_ =	sdelay $0x3  }
0x34: {  	[smem:$0x3FAC] =	sst s10  }
0x35: {  	s10 =	sld [smem:$0x3FAB];
	_ =	sdelay $0x3  }
0x36: {  	p1 =	seq.s32 s10, $0x1;
	s10 =	sld [smem:$0x3FAC];
	_ =	sdelay $0x3  }
0x37: {  	[smem:$0x3FAC] =	sst s10  }
0x38: {  	s10 =	sld [smem:$0x3FAD]  }
0x39: {  	_ = 	snop;
	(pc) =	sbr.ind lr, $3  }
0x3a: {  	_ = 	snop  }
0x3b: {  	_ = 	snop  }
0x3c: {  	p2 =	seq.s32 s10, $0x1;
	s10 =	sld [smem:$0x3FAC]  }
0x3d: {  	_ =	shalt  }
0x3e: {  	_ =	shalt  }
0x3f: {  	_ =	shalt  }
0x40: {  	_ =	shalt  }
0x41: {  	_ =	shalt  }
0x42: {  	_ =	shalt  }
0x43: {  	_ =	shalt  }
0x44: {  	_ =	shalt  }
0x45: {  	_ =	shalt  }
0x46: {  	_ =	shalt  }
0x47: {  	_ =	shalt  }
0x48: {  	_ =	shalt  }
0x49: {  	_ =	shalt  }
0x4a: {  	_ =	shalt  }
0x4b: {  	_ =	shalt  }
0x4c: {  	_ =	shalt  }
0x4d: {  	_ =	shalt  }
0x4e: {  	_ =	shalt  }
0x4f: {  	_ =	shalt  }
0x50: {  	_ =	shalt  }
0x51: {  	_ =	shalt  }
0x52: {  	_ =	shalt  }
0x53: {  	_ =	shalt  }
0x54: {  	_ =	shalt  }
0x55: {  	_ =	shalt  }
0x56: {  	_ =	shalt  }
0x57: {  	_ =	shalt  }
0x58: {  	_ =	shalt  }
0x59: {  	_ =	shalt  }
0x5a: {  	_ =	shalt  }
0x5b: {  	_ =	shalt  }
0x5c: {  	_ =	shalt  }
0x5d: {  	_ =	shalt  }
0x5e: {  	_ =	shalt  }
0x5f: {  	_ =	shalt  }
0x60: {  	_ =	shalt  }
0x61: {  	_ =	shalt  }
0x62: {  	_ =	shalt  }
0x63: {  	_ =	shalt  }
0x64: {  	_ =	shalt  }
0x65: {  	_ =	shalt  }
0x66: {  	_ =	shalt  }
0x67: {  	_ =	shalt  }
0x68: {  	_ =	shalt  }
0x69: {  	_ =	shalt  }
0x6a: {  	_ =	shalt  }
0x6b: {  	_ =	shalt  }
0x6c: {  	_ =	shalt  }
0x6d: {  	_ =	shalt  }
0x6e: {  	_ =	shalt  }
0x6f: {  	_ =	shalt  }
0x70: {  	_ =	shalt  }
0x71: {  	_ =	shalt  }
0x72: {  	_ =	shalt  }
0x73: {  	_ =	shalt  }
0x74: {  	_ =	shalt  }
0x75: {  	_ =	shalt  }
0x76: {  	_ =	shalt  }
0x77: {  	_ =	shalt  }
0x78: {  	_ =	shalt  }
0x79: {  	_ =	shalt  }
0x7a: {  	_ =	shalt  }
0x7b: {  	_ =	shalt  }
0x7c: {  	_ =	shalt  }
0x7d: {  	_ =	shalt  }
0x7e: {  	_ =	shalt  }
0x7f: {  	_ =	shalt  }
0x80: {  	_ =	shalt  }
0x81: {  	_ =	shalt  }
0x82: {  	_ =	shalt  }
0x83: {  	_ =	shalt  }
0x84: {  	_ =	shalt  }
0x85: {  	_ =	shalt  }
0x86: {  	_ =	shalt  }
0x87: {  	_ =	shalt  }
.Lfunc_end0:
.L_simem_size_0:
called_computation.1_lowered:
.L_overlay_start_0:
0x88: {  	s2 =	sld [smem:$0x3FD9]  }
0x89: {  	s3 =	sld [smem:$0x3FFE];
	_ =	sdelay $0x1  }
0x8a: {  	s1 =	srdreg.scid  }
0x8b: {  	s0 =	sand.u32 $0x1, s1  }
0x8c: {  	s16 =	sshll.u32 s0, $0xA;
	s2 =	sadd.s32 s3, s2  }
0x8d: {  	s2 =	sadd.s32 s2, s16  }
0x8e: {  	[smem:$0x3FB8] =	sst s2  }
0x8f: {  	_ = 	snop  }
0x90: {  	(tm) =	ssettm $0x1  }
0x91: {  	s17 =	sld [smem:$0x3FFB];
	_ =	sdelay $0x3  }
0x92: {  	_ =	strace s17  }
0x93: {  	s2 =	sld [smem:$0x3FFC];
	_ =	sdelay $0x3  }
0x94: {  	_ =	strace s2  }
0x95: {  	s2 =	sld [smem:$0x3FFD];
	_ =	sdelay $0x3  }
0x96: {  	_ =	strace s2  }
0x97: {  	_ =	strace $0x8FFFFFFF  }
0x98: {  	s18 =	sld [smem:$0x3FDB];
	_ =	sdelay $0x1  }
0x99: {  	s19 =	simm.s32 $_scs_section_size  }
0x9a: {  	s4 =	simm.s32 $_size__tile_overlayer_lowered;
	s5 =	simm.s32 $_tile_overlayer_lowered  }
0x9b: {  	s22 =	simm.s32 $0x1BFF;
	s21 =	sshll.u32 s5, $0x1;
	s2 =	sadd.s32 s19, s18  }
0x9c: {  	s6 =	simm.s32 $0x0;
	s20 =	sshll.u32 s4, $0x1;
	s4 =	sadd.s32 s21, s2  }
0x9d: {  	[timem:s6], [sflag:s22] =	dma.local [hbm:s4], s20  }
0x9e: {  	_ =	swait.ge [sflag:s22], s20  }
0x9f: {  	s3 =	ssub.s32 $0x0, s20;
	[sflag:s22] =	ssyncset.done $0x0  }
0xa0: {  	[sflag:s22] =	ssyncadd.s32 s3;
	_ =	sdelay $0x1  }
0xa1: {  	s23 =	simm.s32 $0x1B8B  }
0xa2: {  	_ =	swait.ge [sflag:s23], $0x1  }
0xa3: {  	[sflag:s23] =	ssyncset.done $0x0  }
0xa4: {  	s25 =	simm.s32 $0x1B8E;
	s24 =	sld [smem:$0x3FFE];
	[sflag:s23] =	ssyncadd.s32 $0xFFFFFFFF  }
0xa5: {  	s26 =	simm.s32 $execute0_lowered;
	[smem:$0x3FD2] =	sst s25  }
0xa6: {  	s4 =	sshll.u32 s26, $0x1;
	_ =	strace $0x80000049;
	[dreg:$0x1] =	wrdreg $0xFFFFFFFF  }
0xa7: {  	s28 =	simm.s32 $_size_execute0_lowered;
	s2 =	sadd.s32 s2, s4;
	[dreg:$0x0] =	wrdreg $0x0  }
0xa8: {  	s4 =	sshll.u32 s28, $0x1;
	[dreg:$0x2] =	wrdreg s2  }
0xa9: {  	[dreg:$0x3] =	wrdreg s4  }
0xaa: {  	[dreg:$0x4] =	wrdreg $0xC0  }
0xab: {  	_ =	task [dreg:s6], $0x5FFFF  }
0xac: {  	[dreg:$0x1] =	wrdreg $0xFFFFFFFF  }
0xad: {  	[dreg:$0x0] =	wrdreg $0x60  }
0xae: {  	[dreg:$0x2] =	wrdreg s24  }
0xaf: {  	[dreg:$0x3] =	wrdreg $0x9  }
0xb0: {  	_ =	task.clear_ibuf [dreg:s6], $0x4FFFF;
	_ =	strace $0x90000049  }
0xb1: {  	s29 =	simm.s32 $0x9;
	_ =	strace $0x8000004B  }
0xb2: {  	_ =	swait.ge [sflag:s29], $0x1  }
0xb3: {  	[sflag:s29] =	ssyncadd.s32 $0xFFFFFFFF  }
0xb4: {  	_ =	strace $0x9000004B  }
0xb5: {  	_ =	sfence  }
0xb6: {  	s30 =	sld [smem:$0x0];
	_ =	sdelay $0x2  }
0xb7: {  	s31 =	sshll.u32 s1, $0xD;
	s1 =	sshrl.u32 s1, $0x2  }
0xb8: {  	s3 =	sand.u32 $0x4000, s31;
	s1 =	sadd.s32 s1, s30  }
0xb9: {  	s0 =	sor.u32 s3, s0;
	s1 =	sshll.u32 s1, $0x11  }
0xba: {  	s0 =	sor.u32 s1, s0  }
0xbb: {  	s0 =	sadd.s32 $0x8F2B, s0  }
0xbc: {  	[sflag:s0] =	ssyncadd.remote.s32 $0x1  }
0xbd: {  	_ =	sfence.sel $0xFFFF  }
0xbe: {  	[dreg:$0x0] =	wrdreg $0xFFFFFFFF;
	(pc) =	sbr.abs _section_cstart, $3  }
0xbf: {  	[dreg:$0x1] =	wrdreg $0xFFFFFFFF  }
0xc0: {  	_ =	task.clear_ibuf [dreg:s6], $0x2FFFF;
	_ =	strace $0x9FFFFFFF  }
0xc1: {  	(tm) =	ssettm $0x7FFFFFFF  }
tec
execute0_lowered:
.L_overlay_start_1:
0x0: {  	(tag) =	ssettag $0x1  }
0x1: {  	s2 =	rddreg [dreg:$0x0]  }
0x2: {  	s0 =	rddreg [dreg:$0x1];
	s1 =	stileid.u32  }
0x3: {  	s3 =	srdreg.scid;
	_ =	strace $0x8000004A;
	s4 =	simm.s32 $0x1  }
0x4: {  	s7 =	simm.s32 $0x1;
	s8 =	simm.s32 $0x1;
	s9 =	simm.s32 $0x3  }
0x5: {  	s10 =	simm.s32 $0x0;
	s5 =	sand.u32 $0x1, s3;
	s6 =	sshll.u32 s1, $0x1  }
0x6: {  	s13 =	simm.s32 $0x0;
	s12 =	simm.s32 $0x0;
	s5 =	sor.u32 s6, s5  }
.Ltmp0:
0x7: {  	[sflag:s4] =	ssyncpa.u1 $0x0;
	p0 =	slt.u32 s5, $0x13;
	(pc) =	sbr.rel .LBB2_1-.Ltmp0, $4  }
0x8: {  	s6 =	simm.s32 $0x2;
	s7 =	simm.s32 @!p0 $0x0;
	p0 =	sne.s32 s5, $0x12  }
0x9: {  	[sflag:s6] =	ssyncpa.u1 $0x0;
	s5 =	smul.u32 $0x7D0, s5;
	s8 =	simm.s32 @!p0 $0x0  }
0xa: {  	s3 =	sadd.s32 $0x50800, s2;
	[sflag:s9] =	ssyncpa.u1 $0x0;
	s7 =	sadd.s32 s8, s7  }
0xb: {  	vm0 =	vmmov $0xffff;
	s8 =	sadd.s32 $0x3200, s2;
	s11 =	smov.u32 s5;
	s9 =	sadd.s32 $0x1, s7  }
.LBB2_4:
0xc: {  	v5 =	vshll.u32 v1, $0xE  }
0xd: {  	v3 =	vadd.s32 v3, v4;
	vm1 =	veq.s32 v1, $0x80000000;
	v61 =	vand.u32 $0x3F80, v1  }
0xe: {  	v62 =	vshrl.u32 v1, $0xE;
	v4 =	vsel vm1, $0xFFFFFF80, v61;
	v5 =	vand.u32 $0x1FC000, v5  }
0xf: {  	v1 =	vand.u32 $0x7F, v62;
	v5 =	vsel vm1, $0xFFFFC000, v5;
	v6 =	vand.u32 $0xFFFFFC00, v4  }
0x10: {  	v1 =	vsel vm1, $0xFFFFFFFF, v1;
	v4 =	vand.u32 $0x380, v4;
	v5 =	vadd.s32 v6, v5  }
0x11: {  	v2 =	vor.u32 v2, v3;
	v63 =	vand.u32 $0xFFFFFC00, v1;
	v4 =	vor.u32 v4, v5  }
0x12: {  	v1 =	vand.u32 $0x7F, v1;
	v3 =	vadd.s32 v63, v4  }
0x13: {  	v1 =	vor.u32 v1, v3  }
0x14: {  	[tilespmem:s16], [sflag:$0x1] =	stream.indirect_vreg.gather [hbm4b:s3+s10], $0x1, v0, vm0, $0x4038;
	[tilespmem:$0x1F40] =	vst v63  }
0x15: {  	(ifvalue) =	ssetifvalue $0x7FFFFFFF  }
0x16: {  	[tilespmem:s15], [sflag:$0x1] =	stream.indirect_vreg.gather [hbm4b:s3+s10], $0x1, v2, vm0, $0x4038;
	[tilespmem:$0x1F40] =	vst v63  }
0x17: {  	s29 =	sadd.s32 $0x10, s15;
	(ifvalue) =	ssetifvalue $0x7FFFFFFF  }
0x18: {  	[tilespmem:s29], [sflag:$0x1] =	stream.indirect_vreg.gather [hbm4b:s3+s10], $0x1, v1, vm0, $0x4038;
	[tilespmem:$0x1F40] =	vst v63  }
0x19: {  	_ =	swait.ge [sflag:s4], $0x7D0  }
0x1a: {  	s30 =	sshrl.u32 s13, $0x3;
	[sflag:s4] =	ssyncset.done $0x0  }
0x1b: {  	s31 =	sand.u32 $0x7, s13;
	s15 =	sadd.s32 s8, s30;
	[sflag:s4] =	ssyncadd.s32 $0xFFFFF830  }
0x1c: {  	[hbm4b:s15+s31] =	stream.linear.scatter [tilespmem:s14], [sflag:$0x3], $0x7D0, $0x38;
	[tilespmem:$0x1F40] =	vst v63  }
.LBB2_5:
0x1d: {  	s15 =	sadd.s32 $0xFA00, s11  }
0x1e: {  	p1 =	sgt.s32 s15, $0x1869F  }
0x1f: {  	s15 =	smov.u32 @p1 s5;
	p1 =	sne.s32 s12, s9  }
.Ltmp1:
0x20: {  	p0 =	slt.u32 s12, $0x2;
	(pc) =	sbr.rel @!p1 .LBB2_6-.Ltmp1, $4  }
0x21: {  	s14 =	simm.s32 @!p0 $0x3  }
0x22: {  	_ =	swait.ge @!p0 [sflag:s14], $0x7D0  }
0x23: {  	s16 =	sadd.s32 $0x1, s12;
	s13 =	smov.u32 s11;
	[sflag:s14] =	ssyncset.done @!p0 $0x0  }
0x24: {  	s12 =	smov.u32 s16;
	s11 =	smov.u32 s15;
	[sflag:s14] =	ssyncadd.s32 @!p0 $0xFFFFF830  }
.LBB2_1:
0x25: {  	p0 =	sge.u32 s12, s7  }
0x26: {  	s14 =	sxor.u32 @!p0 $0x1, s12  }
0x27: {  	s14 =	smul.u32 @!p0 $0x1F40, s14  }
0x28: {  	s31 =	sadd.s32 $0xFFFFFFFF, s12;
	s15 =	sshrl.u32 @!p0 s11, $0x3  }
0x29: {  	s16 =	sand.u32 @!p0 $0x7, s11;
	s15 =	sadd.s32 @!p0 s2, s15;
	s14 =	sshra.s32 @!p0 s14, $0x2  }
0x2a: {  	[tilespmem:s14], [sflag:$0x2] =	stream.linear.gather @!p0 [hbm4b:s15+s16], $0x7D0, $0x38;
	[tilespmem:$0x1F40] =	vst v63  }
0x2b: {  	p0 =	sge.u32 s31, s7  }
.Ltmp2:
0x2c: {  	_ = 	snop;
	(pc) =	sbr.rel @p0 .LBB2_5-.Ltmp2, $1  }
0x2d: {  	_ =	sdelay $0x3  }
0x2e: {  	s14 =	sand.u32 $0x1, s12  }
0x2f: {  	_ =	swait.ge [sflag:s6], $0x7D0;
	p0 =	seq.s32 s14, $0x1;
	s14 =	simm.s32 $0x7D0  }
0x30: {  	[sflag:s6] =	ssyncset.done $0x0;
	s14 =	simm.s32 @!p0 $0x0  }
0x31: {  	[sflag:s6] =	ssyncadd.s32 $0xFFFFF830;
	(ifvalue) =	ssetifvalue $0x7FFFFFFF;
	v0 =	vld.msk [tilespmem:s14+$0x0 ss:$0x1], $0xffff;
	_ =	sdelay $0x3  }
0x32: {  	s15 =	sadd.s32 $0x10, s14  }
0x33: {  	v1 =	vld.msk [tilespmem:s15+$0x0 ss:$0x1], $0xffff;
	v2 =	vshll.u32 v0, $0xE;
	vm1 =	veq.s32 v0, $0x80000000;
	v3 =	vand.u32 $0x3F80, v0  }
0x34: {  	v0 =	vshrl.u32 v0, $0xE;
	v3 =	vsel vm1, $0xFFFFFF80, v3;
	v2 =	vand.u32 $0x1FC000, v2  }
0x35: {  	v0 =	vand.u32 $0x7F, v0;
	v2 =	vsel vm1, $0xFFFFC000, v2;
	v4 =	vand.u32 $0xFFFFFC00, v3  }
0x36: {  	v0 =	vsel vm1, $0xFFFFFFFF, v0;
	v3 =	vand.u32 $0x380, v3;
	v2 =	vadd.s32 v4, v2  }
0x37: {  	v4 =	vand.u32 $0xFFFFFC00, v0;
	v2 =	vor.u32 v3, v2  }
0x38: {  	vm1 =	veq.s32 v1, $0x80000000;
	v0 =	vand.u32 $0x7F, v0;
	v2 =	vadd.s32 v4, v2  }
0x39: {  	v3 =	vshll.u32 v1, $0xE;
	v4 =	vand.u32 $0x3F80, v1;
	v0 =	vor.u32 v0, v2  }
0x3a: {  	s15 =	sadd.s32 $0x10, s15;
	v1 =	vshrl.u32 v1, $0xE;
	v3 =	vand.u32 $0x1FC000, v3;
	v2 =	vsel vm1, $0xFFFFFF80, v4  }
0x3b: {  	s14 =	sadd.s32 $0xFA0, s14;
	v4 =	vand.u32 $0x7F, v1;
	v3 =	vsel vm1, $0xFFFFC000, v3;
	v1 =	vld.msk [tilespmem:s15+$0x0 ss:$0x1], $0xffff;
	v5 =	vand.u32 $0xFFFFFC00, v2  }
0x3c: {  	s17 =	simm.s32 $0x20;
	s16 =	smov.u32 s14;
	v4 =	vsel vm1, $0xFFFFFFFF, v4;
	v6 =	vand.u32 $0x380, v2;
	v5 =	vadd.s32 v5, v3  }
0x3d: {  	s18 =	sadd.s32 $0x10, s15;
	(ifvalue) =	ssetifvalue $0x7FFFFFFF;
	s15 =	sadd.s32 $0x10, s14;
	v2 =	vand.u32 $0x7F, v4;
	v3 =	vand.u32 $0xFFFFFC00, v4;
	v4 =	vor.u32 v6, v5  }
.LBB2_3:
0x3e: {  	[tilespmem:s16], [sflag:$0x1] =	stream.indirect_vreg.gather [hbm4b:s3+s10], $0x1, v0, vm0, $0x4038;
	[tilespmem:$0x1F40] =	vst v63  }
0x3f: {  	s17 =	sadd.s32 $0x10, s17  }
0x40: {  	v5 =	vshll.u32 v1, $0xE;
	v3 =	vadd.s32 v3, v4;
	v4 =	vmov v1;
	v1 =	vld.msk [tilespmem:s18+$0x0 ss:$0x1], $0xffff;
	p0 =	slt.u32 s17, $0x7C0  }
.Ltmp3:
0x41: {  	s16 =	smov.u32 s15;
	vm1 =	veq.s32 v4, $0x80000000;
	v6 =	vand.u32 $0x3F80, v4;
	v0 =	vor.u32 v2, v3;
	(pc) =	sbr.rel @p0 .LBB2_3-.Ltmp3, $4  }
0x42: {  	v3 =	vshrl.u32 v4, $0xE;
	v4 =	vand.u32 $0x1FC000, v5;
	v2 =	vsel vm1, $0xFFFFFF80, v6  }
0x43: {  	v3 =	vand.u32 $0x7F, v3;
	v4 =	vsel vm1, $0xFFFFC000, v4;
	v5 =	vand.u32 $0xFFFFFC00, v2  }
0x44: {  	v3 =	vsel vm1, $0xFFFFFFFF, v3;
	v4 =	vadd.s32 v5, v4;
	v5 =	vand.u32 $0x380, v2  }
0x45: {  	s18 =	sadd.s32 $0x10, s18;
	s15 =	sadd.s32 $0x10, s15;
	v2 =	vand.u32 $0x7F, v3;
	v3 =	vand.u32 $0xFFFFFC00, v3;
	v4 =	vor.u32 v5, v4;
	(ifvalue) =	ssetifvalue $0x7FFFFFFF  }
.Ltmp4:
0x46: {  	_ = 	snop;
	(pc) =	sbr.rel .LBB2_4-.Ltmp4, $1  }
0x47: {  	_ =	sdelay $0x3  }
.LBB2_6:
0x48: {  	_ =	sfence.sel $0x180000  }
0x49: {  	s2 =	simm.s32 $0x2;
	[bflag:$0x0] =	sbarrier.arrive $0xFFFF  }
0x4a: {  	s30 =	simm.s32 $0x3;
	[sflag:s2] =	ssyncpa.u1 $0x1  }
0x4b: {  	s31 =	simm.s32 $0x1;
	[sflag:s30] =	ssyncpa.u1 $0x1  }
0x4c: {  	[sflag:s31] =	ssyncpa.u1 $0x1  }
0x4d: {  	p0 =	sne.s32 s1, $0x0;
	_ =	strace $0x9000004A  }
0x4e: {  	s0 =	sadd.s32 @!p0 $0x100000, s0;
	[bflag:$0x2] =	sbarrier.arrive $0xFFFF  }
0x4f: {  	[sflag:s0] =	ssyncadd.tile.s32 @!p0 $0x1;
	_ =	shalt  }
.Lfunc_end2:
_tile_overlayer_lowered:
.L_overlay_start_2:
0x50: {  	(tag) =	ssettag $0x2  }
0x51: {  	s0 =	rddreg [dreg:$0x0];
	s2 =	stileid.u32  }
0x52: {  	s1 =	rddreg [dreg:$0x1];
	p0 =	sne.s32 s2, $0x0  }
0x53: {  	s3 =	rddreg [dreg:$0x2];
	[bflag:$0x3] =	sbarrier.arrive $0xFFFF;
	s2 =	simm.s32 @!p0 $0x1C01  }
0x54: {  	[timem:s3], [sflag:s2] =	dma.local @!p0 [hbm:s0], s1  }
0x55: {  	s0 =	simm.s32 @!p0 $0x1  }
0x56: {  	_ =	swait.ge @!p0 [sflag:s0], s1  }
0x57: {  	s1 =	ssub.s32 @!p0 $0x0, s1;
	[sflag:s0] =	ssyncset.done @!p0 $0x0  }
0x58: {  	[sflag:s0] =	ssyncadd.s32 @!p0 s1  }
0x59: {  	[bflag:$0x3] =	sbarrier.arrive $0xFFFF  }
0x5a: {  	_ =	shalt  }

// kernel: scatter_offload_async_start
scs
__scs_entry_jumppad:
0x0: {  	(pc) =	sbr.rel $0x88, $3  }
0x1: {  	(tag) =	ssettag $0x0;
	lr =	simm.s32 $0x1  }
0x2: {  	[smem:$0x3F91] =	sst lr;
	_ =	strace $0xD0000000  }
0x3: {  	_ = 	snop  }
0x4: {  	_ = 	snop  }
0x5: {  	_ = 	snop  }
0x6: {  	_ = 	snop  }
0x7: {  	_ = 	snop  }
__scs_overlays_trampoline_lowered:
0x8: {  	[smem:$0x3FA0] =	sst s0  }
0x9: {  	[smem:$0x3FA1] =	sst s1  }
0xa: {  	[smem:$0x3FA2] =	sst s2  }
0xb: {  	[smem:$0x3FA3] =	sst s3  }
0xc: {  	[smem:$0x3FA4] =	sst s4  }
0xd: {  	[smem:$0x3FA5] =	sst s5  }
0xe: {  	[smem:$0x3FA6] =	sst s6  }
0xf: {  	[smem:$0x3FA7] =	sst s7  }
0x10: {  	[smem:$0x3FA8] =	sst s8  }
0x11: {  	[smem:$0x3FA9] =	sst s9;
	s0 =	simm.s32 @!p0 $0x0  }
0x12: {  	s1 =	sld [smem:$0x3F8F];
	s0 =	simm.s32 @p0 $0x1  }
0x13: {  	[smem:$0x3FAA] =	sst s0;
	s0 =	simm.s32 @!p1 $0x0  }
0x14: {  	s2 =	sld [smem:$0x3F8E];
	s0 =	simm.s32 @p1 $0x1  }
0x15: {  	[smem:$0x3FAB] =	sst s0;
	s0 =	simm.s32 @!p2 $0x0  }
0x16: {  	s3 =	sld [smem:$0x3FDB];
	s0 =	simm.s32 @p2 $0x1  }
0x17: {  	s4 =	simm.s32 $0x1BF5;
	[smem:$0x3FAD] =	sst s0  }
0x18: {  	s0 =	sld [smem:$0x3F90];
	_ =	swait.ge [sflag:s4], $0x0  }
0x19: {  	s7 =	sld [smem:$0x3F91]  }
0x1a: {  	s8 =	sadd.s32 $0xFFFFE003, lr  }
0x1b: {  	s9 =	sadd.s32 $0xFFFFFEF7, lr;
	s5 =	simm.s32 $0xFFFFFFFF;
	p2 =	slt.u32 s8, $0xFFFFF086  }
0x1c: {  	p1 =	slt.u32 s9, $0xF7A;
	s5 =	simm.s32 @!p2 $0x0  }
0x1d: {  	s5 =	simm.s32 @p1 $0x1;
	p0 =	seq.s32 s7, s2  }
0x1e: {  	s7 =	smul.u32 @!p0 $0xF7A, s2;
	p2 =	seq.s32 @!p0 s5, $0x0  }
0x1f: {  	s9 =	smul.u32 $0xF7A, s1;
	s8 =	simm.s32 @!p0 $0x1BF5;
	p2 =	por !p2, p0  }
0x20: {  	[sflag:s8] =	ssyncset.s32 @!p0 $0xFFFFF086;
	s6 =	sadd.s32 @!p0 s3, s7;
	s7 =	simm.s32 @!p0 $0x108  }
0x21: {  	s3 =	sadd.s32 s3, s9;
	s6 =	sadd.s32 @!p0 $0x88, s6;
	s7 =	simm.s32 @p2 $0x1082  }
0x22: {  	[simem:s7], [sflag:s8] =	dma.local @!p0 [hbm:s6], $0xF7A  }
0x23: {  	s9 =	sor.u32 $0xD0000000, s2;
	s6 =	simm.s32 $0x108;
	_ =	swait.ge @!p0 [sflag:s8], $0x0  }
0x24: {  	s3 =	sadd.s32 $0x88, s3;
	s6 =	simm.s32 @!p1 $0x1082;
	[sflag:s4] =	ssyncset.s32 $0xFFFFF086  }
0x25: {  	[simem:s6], [sflag:s4] =	dma.local [hbm:s3], $0xF7A  }
0x26: {  	[smem:$0x3F91] =	sst s1;
	(tag) =	ssettag s2;
	_ =	strace s9  }
0x27: {  	s1 =	sld [smem:$0x3FA1]  }
0x28: {  	s2 =	sld [smem:$0x3FA2]  }
0x29: {  	s4 =	sld [smem:$0x3FA4]  }
0x2a: {  	p0 =	seq.s32 s5, $0x0;
	s5 =	sld [smem:$0x3FA5]  }
0x2b: {  	s6 =	sld [smem:$0x3FA6]  }
0x2c: {  	s7 =	sld [smem:$0x3FA7]  }
0x2d: {  	s3 =	simm.s32 $0x108;
	s8 =	sld [smem:$0x3FA8]  }
0x2e: {  	s3 =	simm.s32 @!p0 $0x1082;
	s9 =	sld [smem:$0x3FA9]  }
0x2f: {  	lr =	sadd.s32 s0, s3;
	s0 =	sld [smem:$0x3FA0]  }
0x30: {  	s3 =	sld [smem:$0x3FA3]  }
0x31: {  	[smem:$0x3FAC] =	sst s10  }
0x32: {  	s10 =	sld [smem:$0x3FAA];
	_ =	sdelay $0x3  }
0x33: {  	p0 =	seq.s32 s10, $0x1;
	s10 =	sld [smem:$0x3FAC];
	_ =	sdelay $0x3  }
0x34: {  	[smem:$0x3FAC] =	sst s10  }
0x35: {  	s10 =	sld [smem:$0x3FAB];
	_ =	sdelay $0x3  }
0x36: {  	p1 =	seq.s32 s10, $0x1;
	s10 =	sld [smem:$0x3FAC];
	_ =	sdelay $0x3  }
0x37: {  	[smem:$0x3FAC] =	sst s10  }
0x38: {  	s10 =	sld [smem:$0x3FAD]  }
0x39: {  	_ = 	snop;
	(pc) =	sbr.ind lr, $3  }
0x3a: {  	_ = 	snop  }
0x3b: {  	_ = 	snop  }
0x3c: {  	p2 =	seq.s32 s10, $0x1;
	s10 =	sld [smem:$0x3FAC]  }
0x3d: {  	_ =	shalt  }
0x3e: {  	_ =	shalt  }
0x3f: {  	_ =	shalt  }
0x40: {  	_ =	shalt  }
0x41: {  	_ =	shalt  }
0x42: {  	_ =	shalt  }
0x43: {  	_ =	shalt  }
0x44: {  	_ =	shalt  }
0x45: {  	_ =	shalt  }
0x46: {  	_ =	shalt  }
0x47: {  	_ =	shalt  }
0x48: {  	_ =	shalt  }
0x49: {  	_ =	shalt  }
0x4a: {  	_ =	shalt  }
0x4b: {  	_ =	shalt  }
0x4c: {  	_ =	shalt  }
0x4d: {  	_ =	shalt  }
0x4e: {  	_ =	shalt  }
0x4f: {  	_ =	shalt  }
0x50: {  	_ =	shalt  }
0x51: {  	_ =	shalt  }
0x52: {  	_ =	shalt  }
0x53: {  	_ =	shalt  }
0x54: {  	_ =	shalt  }
0x55: {  	_ =	shalt  }
0x56: {  	_ =	shalt  }
0x57: {  	_ =	shalt  }
0x58: {  	_ =	shalt  }
0x59: {  	_ =	shalt  }
0x5a: {  	_ =	shalt  }
0x5b: {  	_ =	shalt  }
0x5c: {  	_ =	shalt  }
0x5d: {  	_ =	shalt  }
0x5e: {  	_ =	shalt  }
0x5f: {  	_ =	shalt  }
0x60: {  	_ =	shalt  }
0x61: {  	_ =	shalt  }
0x62: {  	_ =	shalt  }
0x63: {  	_ =	shalt  }
0x64: {  	_ =	shalt  }
0x65: {  	_ =	shalt  }
0x66: {  	_ =	shalt  }
0x67: {  	_ =	shalt  }
0x68: {  	_ =	shalt  }
0x69: {  	_ =	shalt  }
0x6a: {  	_ =	shalt  }
0x6b: {  	_ =	shalt  }
0x6c: {  	_ =	shalt  }
0x6d: {  	_ =	shalt  }
0x6e: {  	_ =	shalt  }
0x6f: {  	_ =	shalt  }
0x70: {  	_ =	shalt  }
0x71: {  	_ =	shalt  }
0x72: {  	_ =	shalt  }
0x73: {  	_ =	shalt  }
0x74: {  	_ =	shalt  }
0x75: {  	_ =	shalt  }
0x76: {  	_ =	shalt  }
0x77: {  	_ =	shalt  }
0x78: {  	_ =	shalt  }
0x79: {  	_ =	shalt  }
0x7a: {  	_ =	shalt  }
0x7b: {  	_ =	shalt  }
0x7c: {  	_ =	shalt  }
0x7d: {  	_ =	shalt  }
0x7e: {  	_ =	shalt  }
0x7f: {  	_ =	shalt  }
0x80: {  	_ =	shalt  }
0x81: {  	_ =	shalt  }
0x82: {  	_ =	shalt  }
0x83: {  	_ =	shalt  }
0x84: {  	_ =	shalt  }
0x85: {  	_ =	shalt  }
0x86: {  	_ =	shalt  }
0x87: {  	_ =	shalt  }
.Lfunc_end0:
.L_simem_size_0:
called_computation_lowered:
.L_overlay_start_0:
0x88: {  	s0 =	sld [smem:$0x3FD9]  }
0x89: {  	s1 =	sld [smem:$0x3FFE];
	_ =	sdelay $0x3  }
0x8a: {  	s0 =	sadd.s32 s1, s0  }
0x8b: {  	[smem:$0x3FB8] =	sst s0  }
0x8c: {  	_ = 	snop  }
0x8d: {  	(tm) =	ssettm $0x1  }
0x8e: {  	s15 =	sld [smem:$0x3FFB];
	_ =	sdelay $0x3  }
0x8f: {  	_ =	strace s15  }
0x90: {  	s0 =	sld [smem:$0x3FFC];
	_ =	sdelay $0x3  }
0x91: {  	_ =	strace s0  }
0x92: {  	s0 =	sld [smem:$0x3FFD];
	_ =	sdelay $0x3  }
0x93: {  	_ =	strace s0  }
0x94: {  	_ =	strace $0x8FFFFFFF  }
0x95: {  	s16 =	sld [smem:$0x3FDB];
	_ =	sdelay $0x1  }
0x96: {  	s17 =	simm.s32 $_scs_section_size  }
0x97: {  	s2 =	simm.s32 $_size__tile_overlayer_lowered;
	s3 =	simm.s32 $_tile_overlayer_lowered  }
0x98: {  	s20 =	simm.s32 $0x1BFF;
	s19 =	sshll.u32 s3, $0x1;
	s0 =	sadd.s32 s17, s16  }
0x99: {  	s4 =	simm.s32 $0x0;
	s18 =	sshll.u32 s2, $0x1;
	s2 =	sadd.s32 s19, s0  }
0x9a: {  	[timem:s4], [sflag:s20] =	dma.local [hbm:s2], s18  }
0x9b: {  	_ =	swait.ge [sflag:s20], s18  }
0x9c: {  	s1 =	ssub.s32 $0x0, s18;
	[sflag:s20] =	ssyncset.done $0x0  }
0x9d: {  	[sflag:s20] =	ssyncadd.s32 s1;
	_ =	sdelay $0x1  }
0x9e: {  	s21 =	simm.s32 $0x1B8B  }
0x9f: {  	_ =	swait.ge [sflag:s21], $0x1  }
0xa0: {  	[sflag:s21] =	ssyncset.done $0x0  }
0xa1: {  	s23 =	simm.s32 $0x1B8E;
	s22 =	sld [smem:$0x3FFE];
	[sflag:s21] =	ssyncadd.s32 $0xFFFFFFFF  }
0xa2: {  	s24 =	simm.s32 $execute0_lowered;
	[smem:$0x3FD2] =	sst s23  }
0xa3: {  	s2 =	sshll.u32 s24, $0x1;
	_ =	strace $0x80000046;
	[dreg:$0x1] =	wrdreg $0xFFFFFFFF  }
0xa4: {  	s25 =	simm.s32 $_size_execute0_lowered;
	s0 =	sadd.s32 s0, s2;
	[dreg:$0x0] =	wrdreg $0x0  }
0xa5: {  	s2 =	sshll.u32 s25, $0x1;
	[dreg:$0x2] =	wrdreg s0  }
0xa6: {  	[dreg:$0x3] =	wrdreg s2  }
0xa7: {  	[dreg:$0x4] =	wrdreg $0xC0  }
0xa8: {  	_ =	task [dreg:s4], $0x5FFFF  }
0xa9: {  	[dreg:$0x1] =	wrdreg $0xFFFFFFFF  }
0xaa: {  	[dreg:$0x0] =	wrdreg $0x60  }
0xab: {  	[dreg:$0x2] =	wrdreg s22  }
0xac: {  	[dreg:$0x3] =	wrdreg $0x9  }
0xad: {  	_ =	task.clear_ibuf [dreg:s4], $0x4FFFF;
	_ =	strace $0x90000046  }
0xae: {  	s26 =	simm.s32 $0x9;
	_ =	strace $0x80000048  }
0xaf: {  	_ =	swait.ge [sflag:s26], $0x1  }
0xb0: {  	[sflag:s26] =	ssyncadd.s32 $0xFFFFFFFF  }
0xb1: {  	_ =	strace $0x90000048  }
0xb2: {  	_ =	sfence  }
0xb3: {  	s28 =	sld [smem:$0x0];
	_ =	sdelay $0x1  }
0xb4: {  	s29 =	srdreg.scid  }
0xb5: {  	s30 =	sshll.u32 s29, $0xD;
	s31 =	sshrl.u32 s29, $0x2  }
0xb6: {  	s1 =	sand.u32 $0x1, s29;
	s2 =	sand.u32 $0x4000, s30;
	s0 =	sadd.s32 s31, s28  }
0xb7: {  	s1 =	sor.u32 s2, s1;
	s0 =	sshll.u32 s0, $0x11  }
0xb8: {  	s0 =	sor.u32 s0, s1  }
0xb9: {  	s0 =	sadd.s32 $0x8F2B, s0  }
0xba: {  	[sflag:s0] =	ssyncadd.remote.s32 $0x1  }
0xbb: {  	_ =	sfence.sel $0xFFFF  }
0xbc: {  	[dreg:$0x0] =	wrdreg $0xFFFFFFFF;
	(pc) =	sbr.abs _section_cstart, $3  }
0xbd: {  	[dreg:$0x1] =	wrdreg $0xFFFFFFFF  }
0xbe: {  	_ =	task.clear_ibuf [dreg:s4], $0x2FFFF;
	_ =	strace $0x9FFFFFFF  }
0xbf: {  	(tm) =	ssettm $0x7FFFFFFF  }
tec
execute0_lowered:
.L_overlay_start_1:
0x0: {  	(tag) =	ssettag $0x1  }
0x1: {  	s0 =	rddreg [dreg:$0x0]  }
0x2: {  	s11 =	stileid.u32;
	_ =	strace $0x80000047;
	s2 =	simm.s32 $0x1  }
0x3: {  	v1 =	vimm.s32 $0xFFFFFFFF;
	s1 =	smin.u32 s11, $0x9;
	[sflag:s2] =	ssyncpa.u1 $0x0  }
0x4: {  	s1 =	sadd.s32 s11, s1;
	[tilespmem:$0x10] =	vst v1  }
0x5: {  	v0 =	vimm.f32 $-Inf;
	p0 =	slt.u32 s11, $0x9;
	[tilespmem:$0x20] =	vst v1;
	s3 =	smul.u32 $0xFA0, s1;
	s1 =	simm.s32 $0x1F40  }
0x6: {  	[tilespmem:$0x30] =	vst v0;
	s1 =	simm.s32 @!p0 $0xFA0  }
0x7: {  	[tilespmem:$0x40] =	vst v0;
	s1 =	sadd.s32 s1, s3  }
0x8: {  	[tilespmem:$0x50] =	vst v0;
	s4 =	smin.u32 s1, $0x186A0  }
0x9: {  	s7 =	simm.s32 $0x2;
	s8 =	simm.s32 $0x8;
	[tilespmem:$0x60] =	vst v1;
	s6 =	ssub.s32 s4, s3  }
0xa: {  	s30 =	simm.s32 $0x9;
	s16 =	simm.s32 $0x0;
	[tilespmem:$0x70] =	vst v1;
	p0 =	sgt.s32 s6, $0x0  }
0xb: {  	s17 =	simm.s32 $0xF0;
	s18 =	simm.s32 $0xFFFFFFFF;
	[tilespmem:$0x80] =	vst v1;
	s6 =	simm.s32 @!p0 $0x0  }
0xc: {  	s19 =	simm.s32 $0xFFFFE1C0;
	s20 =	simm.s32 $0xFFFFFFFE;
	v1 =	vimm.s32 $0x0;
	[tilespmem:$0xB0] =	vst v0;
	s5 =	smulhi.u32 $0x10624DD3, s6  }
0xd: {  	s21 =	simm.s32 $0xF;
	s25 =	simm.s32 $0x0;
	s24 =	simm.s32 $0x0;
	[tilespmem:$0x90] =	vst v1  }
0xe: {  	[tilespmem:$0xA0] =	vst v1;
	[sflag:s7] =	ssyncpa.u1 $0x0;
	s7 =	simm.s32 $0x7;
	s9 =	sshrl.u32 s5, $0x8  }
0xf: {  	s14 =	sshllo.u32 s11, $0x1;
	[sflag:s7] =	ssyncpa.u1 $0x0;
	s10 =	smul.u32 $0xFA0, s9  }
0x10: {  	[sflag:s8] =	ssyncpa.u1 $0x0;
	s23 =	smov.u32 s3;
	s1 =	sadd.s32 $0x10800, s0  }
.Ltmp0:
0x11: {  	[sflag:s30] =	ssyncpa.u1 $0x0;
	p0 =	sne.s32 s6, s10;
	(pc) =	sbr.rel .LBB2_1-.Ltmp0, $4  }
0x12: {  	s5 =	sadd.s32 $0xA400, s0;
	s0 =	sadd.s32 $0xD600, s0;
	s2 =	simm.s32 @!p0 $0x0  }
0x13: {  	[dreg:$0x2] =	wrdreg s0;
	s10 =	sshll.u32 s11, $0x1;
	s9 =	sadd.s32 s2, s9  }
0x14: {  	vm0 =	vmmov $0xffff;
	v2 =	vlaneseq.u32;
	vm1 =	vmxor vm1, vm1;
	s13 =	sor.u32 $0x81, s10;
	s15 =	sor.u32 $0x80, s10;
	s31 =	sadd.s32 $0x1, s9  }
0x15: {  	vm2 =	vmmov $0x1;
	v3 =	vimm.f32 $0.0e+00;
	vm3 =	vcmask $0x3F3C;
	p0 =	por $0x0, $0x0;
	s12 =	sadd.s32 $0x2, s9;
	[dreg:$0x3] =	wrdreg s31  }
.LBB2_9:
0x16: {  	p1 =	slt.u32 s24, $0x3  }
0x17: {  	s0 =	simm.s32 @!p1 $0x2  }
0x18: {  	_ =	swait.ge @!p1 [sflag:s0], $0xFA0  }
0x19: {  	[sflag:s0] =	ssyncset.done @!p1 $0x0  }
0x1a: {  	[sflag:s0] =	ssyncadd.s32 @!p1 $0xFFFFF060;
	s0 =	simm.s32 @!p1 $0x9  }
0x1b: {  	_ =	swait.ge @!p1 [sflag:s0], $0x10  }
0x1c: {  	[sflag:s0] =	ssyncset.done @!p1 $0x0  }
0x1d: {  	[sflag:s0] =	ssyncadd.s32 @!p1 $0xFFFFFFF0;
	p1 =	sne.s32 s24, s12  }
.Ltmp1:
0x1e: {  	s2 =	sadd.s32 $0xFA0, s23;
	(pc) =	sbr.rel @!p1 .LBB2_10-.Ltmp1, $4  }
0x1f: {  	s6 =	smov.u32 s3;
	s31 =	sadd.s32 $0x1, s24;
	s17 =	sadd.s32 $0xFA0, s17  }
0x20: {  	s18 =	sadd.s32 $0x1, s18;
	s25 =	smov.u32 s23;
	p2 =	slt.s32 s2, s4  }
0x21: {  	p0 =	por !p0, !p0;
	s19 =	sadd.s32 $0xFA0, s19;
	s6 =	smov.u32 @p2 s2  }
0x22: {  	s20 =	sadd.s32 $0x1, s20;
	s23 =	smov.u32 s6;
	s24 =	smov.u32 s31  }
.LBB2_1:
0x23: {  	p1 =	sge.u32 s24, s9  }
0x24: {  	s0 =	smulhi.u32 @!p1 $0xAAAAAAAB, s24;
	_ =	sdelay $0x1  }
0x25: {  	s0 =	sshrl.u32 @!p1 s0, $0x1  }
0x26: {  	s0 =	smul.u32 @!p1 $0x3, s0;
	_ =	sdelay $0x1  }
0x27: {  	s0 =	ssub.s32 @!p1 s24, s0  }
0x28: {  	s0 =	smul.u32 @!p1 $0x3E80, s0;
	_ =	sdelay $0x1  }
0x29: {  	s2 =	sshrl.u32 @!p1 s23, $0x3;
	s0 =	sshrl.u32 @!p1 s0, $0x2  }
0x2a: {  	s6 =	sand.u32 @!p1 $0x7, s23;
	s2 =	sadd.s32 @!p1 s5, s2;
	s0 =	sadd.s32 @!p1 $0x100, s0  }
0x2b: {  	[tilespmem:s0], [sflag:$0x7] =	stream.linear.gather @!p1 [hbm4b:s2+s6], $0xFA0, $0x38;
	[tilespmem:$0x8DC0] =	vst v63  }
0x2c: {  	s0 =	sadd.s32 $0xFFFFFFFF, s24  }
0x2d: {  	p1 =	sge.u32 s0, s9  }
.Ltmp2:
0x2e: {  	_ = 	snop;
	(pc) =	sbr.rel @p1 .LBB2_5-.Ltmp2, $1  }
0x2f: {  	_ =	sdelay $0x3  }
0x30: {  	s2 =	smulhi.u32 $0xAAAAAAAB, s0;
	_ =	sdelay $0x1  }
0x31: {  	s2 =	sshrl.u32 s2, $0x1  }
0x32: {  	s2 =	smul.u32 $0x3, s2;
	_ =	sdelay $0x1  }
0x33: {  	s2 =	ssub.s32 s0, s2  }
0x34: {  	s2 =	smul.u32 $0x3E80, s2  }
0x35: {  	_ =	swait.ge [sflag:s7], $0xFA0  }
0x36: {  	[sflag:s7] =	ssyncset.done $0x0;
	s2 =	sshrl.u32 s2, $0x2  }
0x37: {  	[sflag:s7] =	ssyncadd.s32 $0xFFFFF060;
	(ifvalue) =	ssetifvalue $0xFFFFFFFF;
	v4 =	vld.msk [tilespmem:s2+$0x100 ss:$0x1], $0xffff;
	_ =	sdelay $0x2  }
0x38: {  	s29 =	smulhi.u32 $0xAAAAAAAB, s18;
	p1 =	sne.s32 s24, $0x1  }
0x39: {  	v5 =	vimm.s32 @!p1 $0x0  }
0x3a: {  	s2 =	sshrl.u32 s29, $0x1;
	v5 =	vperm.xlane @!p1 v4, v5  }
0x3b: {  	s6 =	sshll.u32 s24, $0x4;
	s2 =	smul.u32 $0xFFFF4480, s2;
	vm4 =	vlt.u32 v4, $0x200000  }
0x3c: {  	s6 =	sand.u32 $0x10, s6;
	v4 =	vnsel vm4, $0xFFFFFFFE, v4;
	vm4 =	vlt.u32 @!p1 v5, $0x200000  }
0x3d: {  	s2 =	sshra.s32 s2, $0x2;
	[tilespmem:s6+$0x60] =	vst v4;
	v4 =	vnsel @!p1 vm4, $0xFFFFFFFE, v5  }
0x3e: {  	s30 =	sadd.s32 s2, s17;
	[tilespmem:$0x80] =	vst @!p1 v4  }
0x3f: {  	v4 =	vld.msk [tilespmem:s30+$0x0 ss:$0x1], $0xffff;
	_ =	sdelay $0x4  }
0x40: {  	(xrf1) =	vunique.msk.u32 $0xffff, v4;
	_ =	sdelay $0xd  }
0x41: {  	v5 =	vimm.s32 $0xFFFFFFFF;
	v6, _, _ =	vpop (xrf1)  }
0x42: {  	vm5 =	vne.s32 v4, v5;
	vm4 =	veq.s32 v6, v2  }
0x43: {  	vm6 =	vlt.u32 v4, $0x200000;
	vm4 =	vmand vm5, vm4  }
0x44: {  	vm4 =	vmand vm6, vm4  }
0x45: {  	v5 =	vnsel vm4, $0xFFFFFFFF, v4  }
0x46: {  	s31 =	sand.u32 $0x1, s0  }
0x47: {  	s26 =	simm.s32 $0xFA0;
	p1 =	seq.s32 s31, $0x1  }
0x48: {  	s26 =	simm.s32 @!p1 $0x0  }
0x49: {  	s28 =	sadd.s32 $0x3F70, s26;
	(ifvalue) =	ssetifvalue $0xFFFFFFFF  }
0x4a: {  	v4 =	vperm.xlane v4, v1;
	[tilespmem:s28], [sflag:$0x8] =	stream.indirect_vreg.gather [hbm4b:s1+s16], $0x1, v5, vm0, $0x4038;
	v5 =	vnsel vm6, $0xFFFFFFFE, v5;
	[tilespmem:$0x8DC0] =	vst v63  }
0x4b: {  	s0 =	simm.s32 $0x0;
	s2 =	sadd.s32 $0xFFFFFFF0, s30;
	[tilespmem:s30+$0x0] =	vst v5  }
.LBB2_3:
0x4c: {  	v5 =	vld.msk [tilespmem:s2+$0x0 ss:$0x1], $0xffff;
	s0 =	sadd.s32 $0x10, s0;
	v6 =	vmov v4;
	s6 =	smov.u32 s2  }
0x4d: {  	p1 =	slt.u32 s0, $0xF90;
	_ =	sdelay $0x4  }
0x4e: {  	v4 =	vperm.xlane v5, v1;
	(xrf1) =	vunique.msk.u32 $0xffff, v5;
	_ =	sdelay $0xd  }
0x4f: {  	v7, _, _ =	vpop (xrf1)  }
0x50: {  	vm5 =	vne.s32 v5, v6;
	vm4 =	veq.s32 v7, v2  }
0x51: {  	vm6 =	vlt.u32 v5, $0x200000;
	vm4 =	vmand vm5, vm4  }
0x52: {  	vm4 =	vmand vm6, vm4  }
0x53: {  	v5 =	vnsel vm4, $0xFFFFFFFF, v5  }
.Ltmp3:
0x54: {  	v6 =	vnsel vm6, $0xFFFFFFFE, v5;
	(pc) =	sbr.rel @p1 .LBB2_3-.Ltmp3, $3  }
0x55: {  	_ =	sdelay $0x1  }
0x56: {  	s2 =	sadd.s32 $0xFFFFFFF0, s2;
	s28 =	sadd.s32 $0xFFFFFFF0, s28;
	(ifvalue) =	ssetifvalue $0xFFFFFFFF  }
0x57: {  	[tilespmem:s28], [sflag:$0x8] =	stream.indirect_vreg.gather [hbm4b:s1+s16], $0x1, v5, vm0, $0x4038;
	[tilespmem:s6+$0x0] =	vst v6  }
0x58: {  	s0 =	sshrl.u32 s25, $0x3;
	s2 =	rddreg [dreg:$0x2]  }
0x59: {  	s31 =	sadd.s32 $0x4F20, s26;
	s0 =	sadd.s32 s2, s0  }
0x5a: {  	[tilespmem:s31], [sflag:$0x8] =	stream.linear.gather [hbm:s0], $0xFA0, $0x38;
	[tilespmem:$0x8DC0] =	vst v63  }
.LBB2_5:
0x5b: {  	p1 =	slt.u32 s24, $0x2  }
0x5c: {  	p2 =	sge.u32 @!p1 s24, s12  }
0x5d: {  	p1 =	por p1, p2  }
.Ltmp4:
0x5e: {  	_ = 	snop;
	(pc) =	sbr.rel @p1 .LBB2_9-.Ltmp4, $1  }
0x5f: {  	_ =	sdelay $0x3  }
0x60: {  	s0 =	sadd.s32 $0xFFFFFFFE, s24  }
0x61: {  	s2 =	smulhi.u32 $0xAAAAAAAB, s0;
	_ =	sdelay $0x1  }
0x62: {  	s2 =	sshrl.u32 s2, $0x1  }
0x63: {  	s2 =	smul.u32 $0x3, s2;
	_ =	sdelay $0x1  }
0x64: {  	_ =	swait.ge [sflag:s8], $0x1F40;
	s0 =	ssub.s32 s0, s2  }
0x65: {  	s6 =	rddreg [dreg:$0x3];
	s0 =	smul.u32 $0xFA0, s0  }
0x66: {  	[sflag:s8] =	ssyncset.done $0x0;
	p1 =	sne.s32 s24, s6  }
0x67: {  	[sflag:s8] =	ssyncadd.s32 $0xFFFFE0C0;
	s2 =	sadd.s32 @!p1 $0x109F, s0  }
0x68: {  	[spmem:s13] =	stream.linear.scatter @!p1 [tilespmem:s2], [sflag:$0x1], $0x1, $0x38;
	[tilespmem:$0x8DC0] =	vst v63  }
0x69: {  	s2 =	simm.s32 @!p1 $0x1  }
0x6a: {  	_ =	swait.ge @!p1 [sflag:s2], $0x1  }
0x6b: {  	s6 =	sshll.u32 s24, $0x4;
	[sflag:s2] =	ssyncset.done @!p1 $0x0  }
0x6c: {  	s25 =	sand.u32 $0x10, s6;
	[sflag:s2] =	ssyncadd.s32 @!p1 $0xFFFFFFFF  }
0x6d: {  	s2 =	sxor.u32 $0x10, s25;
	v5 =	vld [tilespmem:s25+$0x10]  }
0x6e: {  	v6 =	vld [tilespmem:s2+$0x60]  }
0x6f: {  	v4 =	vld [tilespmem:$0x80];
	_ =	sdelay $0x2  }
0x70: {  	(v2sf) =	vpush v5, $0x0  }
0x71: {  	(v2sf) =	vpush v6, $0x0  }
0x72: {  	(v2sf) =	vpush v4, $0x0;
	_ =	sdelay $0xc  }
0x73: {  	s11 =	spop (v2sf)  }
0x74: {  	s22 =	spop (v2sf)  }
0x75: {  	s28 =	spop (v2sf)  }
0x76: {  	p2 =	seq.s32 s11, s22;
	p3 =	seq.s32 s28, s11  }
0x77: {  	p3 =	por p2, p3  }
0x78: {  	s26 =	sand.u32 $0x1, s24;
	v5 =	vpsel p3, $0xFFFFFFFF, v5  }
0x79: {  	s29 =	smul.u32 $0xFA0, s26;
	[tilespmem:s25+$0x10] =	vst.msk $0x1, v5  }
0x7a: {  	v5 =	vld [tilespmem:$0x30]  }
0x7b: {  	v6 =	vld [tilespmem:s29+$0x4F20]  }
0x7c: {  	v7 =	vld [tilespmem:s25+$0x40];
	_ =	sdelay $0x2  }
0x7d: {  	vm4 =	vmmov vm1  }
0x7e: {  	vm5 =	vmmov vm2;
	s6 =	sshll.u32 s26, $0x4;
	vm4 =	vmmov @p2 vm2;
	v6 =	vmax.f32 v5, v6  }
0x7f: {  	s26 =	sor.u32 $0x8DA0, s6;
	vm5 =	vmmov @p3 vm1;
	v5 =	vmax.f32 v5, v7;
	[tilespmem:s29+$0x4F20] =	vst.msk vm4, v6  }
0x80: {  	[tilespmem:s26+$0x0] =	vst.msk vm5, v5  }
0x81: {  	v5 =	vld [tilespmem:s29+$0x3F70];
	_ =	sdelay $0x4  }
0x82: {  	v5 =	vshift.insert v5, v3, s21  }
0x83: {  	s11 =	sor.u32 $0x40, s2  }
0x84: {  	v6 =	vimm.f32 $-Inf;
	[tilespmem:s11+$0x0] =	vst.msk $0x1, v5  }
0x85: {  	[tilespmem:s29+$0x3F7F] =	vst.msk $0x1, v6  }
0x86: {  	v5 =	vld [tilespmem:s0+$0x1090]  }
0x87: {  	s22 =	smulhi.u32 $0xAAAAAAAB, s20;
	_ =	sdelay $0x1  }
0x88: {  	s6 =	simm.s32 $0x1;
	s0 =	sshrl.u32 s22, $0x1  }
0x89: {  	s6 =	simm.s32 @!p0 $0x0;
	s0 =	smul.u32 $0xFFFF4480, s0  }
0x8a: {  	s6 =	smul.u32 $0x3E80, s6;
	v5 =	vshift.insert v5, v1, s21  }
0x8b: {  	s0 =	sshra.s32 s0, $0x2  }
0x8c: {  	s6 =	sshrl.u32 s6, $0x2;
	s22 =	sadd.s32 s0, s19;
	[tilespmem:s2+$0x10] =	vst.msk $0x1, v5  }
0x8d: {  	s2 =	sadd.s32 $0x4F20, s6;
	v7 =	vld [tilespmem:s22+$0x0]  }
0x8e: {  	v8 =	vld [tilespmem:s2+$0x0];
	_ =	sdelay $0x4  }
0x8f: {  	vm4 =	vne.s32 v7, $0xFFFFFFFF;
	v6 =	vmax.f32 v8, v6  }
0x90: {  	(xrf0) =	vmax.seg.scan.f32 vm4, v6  }
0x91: {  	s11 =	sadd.s32 $0x2FE0, s6;
	v8 =	vld [tilespmem:$0xA0]  }
0x92: {  	v9 =	vld [tilespmem:s11+$0x0];
	_ =	sdelay $0x1  }
0x93: {  	v6 =	vperm.xlane v5, v1;
	_ =	sdelay $0x1  }
0x94: {  	vm6 =	veq.s32 v7, v4;
	vm7 =	veq.s32 v7, v6;
	vm5 =	veq.s32 v8, $0x1;
	v8, _, _ =	vpop (xrf0)  }
0x95: {  	vm8 =	vgt.u32 v7, $0xFFFFFFFD;
	vm7 =	vmor vm7, vm6;
	v9 =	vmax.f32 v8, v9  }
0x96: {  	s30 =	sadd.s32 $0x6E60, s6;
	v10 =	vld [tilespmem:$0x90];
	vm7 =	vmor vm7, vm8;
	v9 =	vsel vm6, v8, v9  }
0x97: {  	[tilespmem:s30+$0x0] =	vst v9;
	v9 =	vsel vm7, $0xFFFFFFFF, v7;
	_ =	sdelay $0x1  }
0x98: {  	vm9 =	vmand vm4, vm3  }
0x99: {  	s31 =	simm.s32 $0x0;
	s6 =	sadd.s32 $0x10, s11;
	s0 =	sadd.s32 $0x10, s2;
	v11 =	vsel vm9, $0xFF800000, v8  }
0x9a: {  	s2 =	sadd.s32 $0x10, s22;
	s22 =	sadd.s32 $0x10, s30;
	vm4 =	vmor vm5, vm6;
	v7 =	vsel vm6, v8, v10;
	v8 =	vshift.insert v11, v0, s21;
	(ifvalue) =	ssetifvalue $0xFFFFFFFF  }
.LBB2_7:
0x9b: {  	[hbm4b:s1+s16] =	stream.indirect_vreg.scatter [tilespmem:s30], [sflag:$0x2], $0x1, v9, vm0, $0x4038;
	[tilespmem:$0x8DC0] =	vst v63  }
0x9c: {  	s31 =	sadd.s32 $0x10, s31;
	s30 =	smov.u32 s22;
	v9 =	vld [tilespmem:s2+$0x0]  }
0x9d: {  	p2 =	slt.u32 s31, $0xF90;
	v10 =	vld [tilespmem:s0+$0x0];
	_ =	sdelay $0x4  }
0x9e: {  	vm5 =	vne.s32 v9, $0xFFFFFFFF;
	v8 =	vmax.f32 v10, v8  }
0x9f: {  	(xrf0) =	vmax.seg.scan.f32 vm5, v8;
	_ =	sdelay $0x1  }
0xa0: {  	v8 =	vld [tilespmem:s6+$0x0]  }
0xa1: {  	vm6 =	veq.s32 v9, v4;
	vm7 =	veq.s32 v9, v6  }
0xa2: {  	vm8 =	vgt.u32 v9, $0xFFFFFFFD;
	vm4 =	vmor vm4, vm6;
	vm7 =	vmor vm7, vm6  }
0xa3: {  	vm7 =	vmor vm7, vm8  }
.Ltmp5:
0xa4: {  	vm5 =	vmand vm5, vm3;
	v9 =	vsel vm7, $0xFFFFFFFF, v9;
	v10, _, _ =	vpop (xrf0);
	(pc) =	sbr.rel @p2 .LBB2_7-.Ltmp5, $4  }
0xa5: {  	v7 =	vsel vm6, v10, v7;
	v8 =	vmax.f32 v10, v8;
	v11 =	vsel vm5, $0xFF800000, v10  }
0xa6: {  	v10 =	vsel vm6, v10, v8;
	v8 =	vshift.insert v11, v0, s21  }
0xa7: {  	s2 =	sadd.s32 $0x10, s2;
	s0 =	sadd.s32 $0x10, s0;
	[tilespmem:s22+$0x0] =	vst v10  }
0xa8: {  	s6 =	sadd.s32 $0x10, s6;
	s22 =	sadd.s32 $0x10, s22;
	(ifvalue) =	ssetifvalue $0xFFFFFFFF  }
0xa9: {  	_ =	sdelay $0x3  }
0xaa: {  	[hbm4b:s1+s16] =	stream.indirect_vreg.scatter [tilespmem:s30], [sflag:$0x2], $0x1, v9, vm0, $0x4038;
	[tilespmem:$0x8DC0] =	vst v63  }
0xab: {  	v4 =	vld [tilespmem:s29+$0x7DF0];
	_ =	sdelay $0x4  }
0xac: {  	v4 =	vshift.insert v4, v3, s21  }
0xad: {  	s0 =	simm.s32 $0x30  }
0xae: {  	[tilespmem:s0+$0x0] =	vst.msk $0x1, v4  }
0xaf: {  	v4 =	vsel vm4, $0x1, v1;
	[tilespmem:$0x90] =	vst v7  }
0xb0: {  	s0 =	sadd.s32 @!p1 $0x7DFF, s29;
	[tilespmem:$0xA0] =	vst v4  }
0xb1: {  	[spmem:s14] =	stream.linear.scatter @!p1 [tilespmem:s0], [sflag:$0x1], $0x1, $0x38;
	[tilespmem:$0x8DC0] =	vst v63  }
0xb2: {  	s0 =	simm.s32 @!p1 $0x1  }
0xb3: {  	v4 =	vmctz.xlane @!p1 vm4;
	_ =	swait.ge @!p1 [sflag:s0], $0x1  }
0xb4: {  	(v2sf) =	vpush @!p1 v5, $0x0  }
0xb5: {  	(v2sf) =	vpush @!p1 v4, $0x0;
	_ =	sdelay $0xd  }
0xb6: {  	s2 =	spop @!p1 (v2sf)  }
0xb7: {  	s6 =	spop @!p1 (v2sf)  }
0xb8: {  	p2 =	sne.s32 @!p1 s28, s2;
	p3 =	slt.s32 @!p1 s6, $0xF  }
0xb9: {  	[sflag:s0] =	ssyncset.done @!p1 $0x0;
	p2 =	por p2, p1;
	p3 =	por !p3, p1  }
0xba: {  	[sflag:s0] =	ssyncadd.s32 @!p1 $0xFFFFFFFF;
	v4 =	vimm.s32 @!p2 $0xFFFFFFFF;
	s6 =	simm.s32 @p3 $0xF  }
0xbb: {  	[tilespmem:$0x80] =	vst @!p2 v4;
	s2 =	sadd.s32 @!p1 $0x90, s6  }
0xbc: {  	[spmem:s10] =	stream.linear.scatter @!p1 [tilespmem:s2], [sflag:$0x1], $0x1, $0x38;
	[tilespmem:$0x8DC0] =	vst v63  }
0xbd: {  	_ =	swait.ge @!p1 [sflag:s0], $0x1  }
0xbe: {  	[sflag:s0] =	ssyncset.done @!p1 $0x0  }
0xbf: {  	s2 =	simm.s32 @!p1 $0x80;
	[sflag:s0] =	ssyncadd.s32 @!p1 $0xFFFFFFFF  }
0xc0: {  	[spmem:s15] =	stream.linear.scatter @!p1 [tilespmem:s2], [sflag:$0x1], $0x1, $0x38;
	[tilespmem:$0x8DC0] =	vst v63  }
0xc1: {  	_ =	swait.ge @!p1 [sflag:s0], $0x1  }
0xc2: {  	[sflag:s0] =	ssyncset.done @!p1 $0x0  }
0xc3: {  	[sflag:s0] =	ssyncadd.s32 @!p1 $0xFFFFFFFF;
	(ifvalue) =	ssetifvalue $0xFFFFFFFF;
	v4 =	vld [tilespmem:s25+$0x10];
	_ =	sdelay $0x3  }
.Ltmp6:
0xc4: {  	_ = 	snop;
	(pc) =	sbr.rel .LBB2_9-.Ltmp6, $3  }
0xc5: {  	_ =	sdelay $0x1  }
0xc6: {  	(ifvalue) =	ssetifvalue $0xFFFFFFFF  }
0xc7: {  	[hbm4b:s1+s16] =	stream.indirect_vreg.scatter [tilespmem:s26], [sflag:$0x9], $0x1, v4, vm0, $0x4038;
	[tilespmem:$0x8DC0] =	vst v63  }
.LBB2_10:
0xc8: {  	_ =	sfence.sel $0x180000  }
0xc9: {  	s0 =	simm.s32 $0x7;
	[bflag:$0x0] =	sbarrier.arrive $0xFFFF  }
0xca: {  	s26 =	simm.s32 $0x8;
	[sflag:s0] =	ssyncpa.u1 $0x1  }
0xcb: {  	s28 =	simm.s32 $0x9;
	[sflag:s26] =	ssyncpa.u1 $0x1  }
0xcc: {  	[sflag:s28] =	ssyncpa.u1 $0x1  }
0xcd: {  	_ =	sfence.stream.spmem  }
0xce: {  	s29 =	simm.s32 $0x3;
	[bflag:$0x0] =	sbarrier.arrive $0xFFFF  }
0xcf: {  	s30 =	simm.s32 $0x4;
	[sflag:s29] =	ssyncpa.u1 $0x1  }
0xd0: {  	s31 =	simm.s32 $0x3C;
	s2 =	stileid.u32;
	[sflag:s30] =	ssyncpa.u1 $0x1  }
0xd1: {  	p0 =	sne.s32 s2, $0x0;
	[sflag:s31] =	ssyncpa.u1 $0x1  }
0xd2: {  	s0 =	simm.s32 @p0 $0x1;
	_ =	sfence @p0  }
0xd3: {  	[sflag:s0] =	ssyncpa.u1 @p0 $0x1;
	s0 =	simm.s32 @p0 $0x2  }
0xd4: {  	[sflag:s0] =	ssyncpa.u1 @p0 $0x1  }
0xd5: {  	_ =	strace @p0 $0x90000047  }
0xd6: {  	[bflag:$0x2] =	sbarrier.arrive @p0 $0xFFFF  }
0xd7: {  	_ =	shalt @p0  }
.LBB2_11:
0xd8: {  	_ =	sfence.stream.spmem;
	s0 =	simm.s32 $0x5  }
0xd9: {  	s2 =	simm.s32 $0x80;
	s3 =	simm.s32 $0xC0;
	[sflag:s0] =	ssyncpa.u1 $0x0  }
0xda: {  	[tilespmem:s3], [sflag:$0x5] =	stream.linear.gather [spmem:s2], $0x20, $0x38;
	[tilespmem:$0x8DC0] =	vst v63  }
0xdb: {  	s30 =	simm.s32 $0xE0;
	s2 =	simm.s32 $0x0  }
0xdc: {  	[tilespmem:s30], [sflag:$0x5] =	stream.linear.gather [spmem:s2], $0x20, $0x38;
	[tilespmem:$0x8DC0] =	vst v63  }
.Ltmp7:
0xdd: {  	_ = 	snop;
	(pc) =	sbr.rel .LBB2_12-.Ltmp7, $4  }
0xde: {  	_ =	swait.ge [sflag:s0], $0x40  }
0xdf: {  	[sflag:s0] =	ssyncset.done $0x0  }
0xe0: {  	s31 =	simm.s32 $0x6;
	[sflag:s0] =	ssyncadd.s32 $0xFFFFFFC0  }
0xe1: {  	s3 =	simm.s32 $0x0;
	[sflag:s31] =	ssyncpa.u1 $0x0  }
.LBB2_17:
0xe2: {  	p0 =	sgt.u32 s4, $0x1FFFFF  }
0xe3: {  	s0 =	sshrl.u32 @!p0 s4, $0x3  }
0xe4: {  	s4 =	sand.u32 @!p0 $0x7, s4;
	s5 =	simm.s32 @!p0 $0xB0;
	s0 =	sadd.s32 @!p0 s1, s0  }
0xe5: {  	[tilespmem:s5], [sflag:$0x6] =	stream.linear.gather @!p0 [hbm4b:s0+s4], $0x1, $0x38;
	[tilespmem:$0x8DC0] =	vst v63  }
0xe6: {  	s0 =	simm.s32 @!p0 $0x6  }
0xe7: {  	_ =	swait.ge @!p0 [sflag:s0], $0x1  }
0xe8: {  	[sflag:s0] =	ssyncset.done @!p0 $0x0  }
0xe9: {  	[sflag:s0] =	ssyncadd.s32 @!p0 $0xFFFFFFFF  }
0xea: {  	v1 =	vld.msk @!p0 [tilespmem:$0xB0], $0x1  }
0xeb: {  	v2 =	vld.msk @!p0 [tilespmem:s3+$0xE0], $0x1;
	_ =	sdelay $0x4  }
0xec: {  	v1 =	vmax.f32 @!p0 v2, v1  }
0xed: {  	[tilespmem:s3+$0xE0] =	vst.msk @!p0 $0x1, v1  }
0xee: {  	[tilespmem:s2+$0xC0] =	vst.msk $0x1, v0  }
0xef: {  	v0 =	vld.msk [tilespmem:s3+$0xE0], $0x1;
	_ =	sdelay $0x4  }
0xf0: {  	[tilespmem:s2+$0xE0] =	vst.msk $0x1, v0;
	s2 =	sadd.s32 $0x1, s2  }
.LBB2_19:
0xf1: {  	s3 =	sadd.s32 $0x1, s3  }
0xf2: {  	p0 =	sne.s32 s3, $0x20  }
.Ltmp8:
0xf3: {  	_ = 	snop;
	(pc) =	sbr.rel @!p0 .LBB2_20-.Ltmp8, $1  }
0xf4: {  	_ =	sdelay $0x3  }
.LBB2_12:
0xf5: {  	v0 =	vld.msk [tilespmem:s3+$0xC0], $0x1;
	_ =	sdelay $0x4  }
0xf6: {  	(v2sf) =	vpush v0, $0x0;
	_ =	sdelay $0xe  }
0xf7: {  	s4 =	spop (v2sf)  }
0xf8: {  	p0 =	seq.s32 s4, $0xFFFFFFFF  }
.Ltmp9:
0xf9: {  	_ = 	snop;
	(pc) =	sbr.rel @p0 .LBB2_19-.Ltmp9, $1  }
0xfa: {  	_ =	sdelay $0x3  }
0xfb: {  	p0 =	slt.s32 s2, $0x1  }
.Ltmp10:
0xfc: {  	_ = 	snop;
	(pc) =	sbr.rel @p0 .LBB2_17-.Ltmp10, $1  }
0xfd: {  	_ =	sdelay $0x3  }
0xfe: {  	s0 =	simm.s32 $0xC0;
	p0 =	por $0x0, $0x0  }
0xff: {  	v1 =	vld.msk @!p0 [tilespmem:s0+$0x0], $0x1;
	_ =	sdelay $0x4  }
0x100: {  	(v2sf) =	vpush @!p0 v1, $0x0;
	_ =	sdelay $0xd  }
0x101: {  	p2 =	sne.s32 s2, $0x1  }
.Ltmp11:
0x102: {  	s5 =	spop @!p0 (v2sf);
	(pc) =	sbr.rel @!p2 .LBB2_16-.Ltmp11, $4  }
0x103: {  	p1 =	seq.s32 @!p0 s4, s5  }
0x104: {  	s5 =	simm.s32 $0x0;
	p1 =	por !p1, p0  }
0x105: {  	s7 =	simm.s32 $0xFFFFFFFF;
	s5 =	simm.s32 @p1 $0xFFFFFFFF  }
0x106: {  	s6 =	simm.s32 $0x1;
	s5 =	smov.u32 @p0 s7  }
.LBB2_15:
0x107: {  	s7 =	smov.u32 s5;
	p0 =	sne.s32 s5, $0xFFFFFFFF  }
0x108: {  	s0 =	sadd.s32 $0x1, s0;
	s5 =	smov.u32 s6;
	s6 =	sadd.s32 $0x1, s6  }
0x109: {  	p1 =	sne.s32 s2, s6;
	v1 =	vld.msk @!p0 [tilespmem:s0+$0x0], $0x1;
	_ =	sdelay $0x4  }
0x10a: {  	(v2sf) =	vpush @!p0 v1, $0x0;
	_ =	sdelay $0xe  }
.Ltmp12:
0x10b: {  	s8 =	spop @!p0 (v2sf);
	(pc) =	sbr.rel @p1 .LBB2_15-.Ltmp12, $4  }
0x10c: {  	p2 =	seq.s32 @!p0 s4, s8  }
0x10d: {  	p2 =	por !p2, p0  }
0x10e: {  	s5 =	simm.s32 @p2 $0xFFFFFFFF  }
0x10f: {  	s5 =	smov.u32 @p0 s7  }
.LBB2_16:
0x110: {  	p0 =	sne.s32 s5, $0xFFFFFFFF  }
.Ltmp13:
0x111: {  	_ = 	snop;
	(pc) =	sbr.rel @!p0 .LBB2_17-.Ltmp13, $1  }
0x112: {  	_ =	sdelay $0x3  }
0x113: {  	v0 =	vld.msk [tilespmem:s3+$0xE0], $0x1  }
0x114: {  	v1 =	vld.msk [tilespmem:s5+$0xE0], $0x1;
	_ =	sdelay $0x1  }
.Ltmp14:
0x115: {  	_ = 	snop;
	(pc) =	sbr.rel .LBB2_19-.Ltmp14, $3  }
0x116: {  	_ =	sdelay $0x1  }
0x117: {  	v0 =	vmax.f32 v1, v0  }
0x118: {  	[tilespmem:s5+$0xE0] =	vst.msk $0x1, v0  }
.LBB2_20:
0x119: {  	p0 =	slt.s32 s2, $0x1  }
.Ltmp15:
0x11a: {  	_ = 	snop;
	(pc) =	sbr.rel @p0 .LBB2_24-.Ltmp15, $3  }
0x11b: {  	_ =	sdelay $0x1  }
0x11c: {  	s0 =	simm.s32 $0x6  }
0x11d: {  	s3 =	simm.s32 $0x0;
	[sflag:s0] =	ssyncpa.u1 $0x1  }
0x11e: {  	s0 =	simm.s32 $0xC0  }
0x11f: {  	v0 =	vld.msk [tilespmem:s0+$0x0], $0x1;
	_ =	sdelay $0x4  }
0x120: {  	(v2sf) =	vpush v0, $0x0;
	_ =	sdelay $0xe  }
0x121: {  	s2 =	sadd.s32 $0xFFFFFFFF, s2;
	s4 =	spop (v2sf)  }
0x122: {  	p1 =	sne.s32 s2, $0x0;
	p0 =	sgt.u32 s4, $0x1FFFFF  }
.Ltmp16:
0x123: {  	s5 =	sshrl.u32 @!p0 s4, $0x3;
	(pc) =	sbr.rel @!p1 .LBB2_23-.Ltmp16, $4  }
0x124: {  	s0 =	simm.s32 $0xE0;
	s4 =	sand.u32 @!p0 $0x7, s4;
	s5 =	sadd.s32 @!p0 s1, s5  }
0x125: {  	[hbm4b:s5+s4] =	stream.linear.scatter @!p0 [tilespmem:s0], [sflag:$0x5], $0x1, $0x38;
	[tilespmem:$0x8DC0] =	vst v63  }
0x126: {  	s5 =	simm.s32 $0x0  }
0x127: {  	s4 =	simm.s32 $0xC1;
	s5 =	simm.s32 @!p0 $0x4  }
.LBB2_22:
0x128: {  	v0 =	vld.msk [tilespmem:s4+$0x0], $0x1;
	s2 =	sadd.s32 $0xFFFFFFFF, s2;
	s3 =	sadd.s32 s3, s5  }
0x129: {  	p0 =	sne.s32 s2, $0x0;
	_ =	sdelay $0x3  }
0x12a: {  	(v2sf) =	vpush v0, $0x0;
	_ =	sdelay $0xe  }
.Ltmp17:
0x12b: {  	s6 =	spop (v2sf);
	(pc) =	sbr.rel @p0 .LBB2_22-.Ltmp17, $4  }
0x12c: {  	s5 =	simm.s32 $0x0;
	p1 =	sgt.u32 s6, $0x1FFFFF  }
0x12d: {  	s0 =	sadd.s32 $0x1, s0;
	s5 =	simm.s32 @!p1 $0x4;
	s7 =	sshrl.u32 @!p1 s6, $0x3  }
0x12e: {  	s4 =	sadd.s32 $0x1, s4;
	s6 =	sand.u32 @!p1 $0x7, s6;
	s7 =	sadd.s32 @!p1 s1, s7  }
0x12f: {  	[hbm4b:s7+s6] =	stream.linear.scatter @!p1 [tilespmem:s0], [sflag:$0x5], $0x1, $0x38;
	[tilespmem:$0x8DC0] =	vst v63  }
.LBB2_23:
0x130: {  	s0 =	sadd.s32 s3, s5  }
0x131: {  	s3 =	sshrl.u32 s0, $0x2  }
.LBB2_24:
0x132: {  	s0 =	simm.s32 $0x5  }
0x133: {  	_ =	swait.ge [sflag:s0], s3  }
0x134: {  	s1 =	ssub.s32 $0x0, s3;
	[sflag:s0] =	ssyncset.done $0x0  }
0x135: {  	[sflag:s0] =	ssyncadd.s32 s1  }
0x136: {  	[sflag:s0] =	ssyncpa.u1 $0x1  }
0x137: {  	s29 =	simm.s32 $0x1;
	_ =	sfence  }
0x138: {  	s30 =	simm.s32 $0x2;
	[sflag:s29] =	ssyncpa.u1 $0x1  }
0x139: {  	[sflag:s30] =	ssyncpa.u1 $0x1  }
0x13a: {  	_ =	strace $0x90000047  }
0x13b: {  	[bflag:$0x2] =	sbarrier.arrive $0xFFFF  }
0x13c: {  	s31 =	rddreg [dreg:$0x1]  }
0x13d: {  	s0 =	sadd.s32 $0x100000, s31  }
0x13e: {  	[sflag:s0] =	ssyncadd.tile.s32 $0x1;
	_ =	shalt  }
.Lfunc_end2:
_tile_overlayer_lowered:
.L_overlay_start_2:
0x13f: {  	(tag) =	ssettag $0x2  }
0x140: {  	s0 =	rddreg [dreg:$0x0];
	s2 =	stileid.u32  }
0x141: {  	s1 =	rddreg [dreg:$0x1];
	p0 =	sne.s32 s2, $0x0  }
0x142: {  	s3 =	rddreg [dreg:$0x2];
	[bflag:$0x3] =	sbarrier.arrive $0xFFFF;
	s2 =	simm.s32 @!p0 $0x1C01  }
0x143: {  	[timem:s3], [sflag:s2] =	dma.local @!p0 [hbm:s0], s1  }
0x144: {  	s0 =	simm.s32 @!p0 $0x1  }
0x145: {  	_ =	swait.ge @!p0 [sflag:s0], s1  }
0x146: {  	s1 =	ssub.s32 @!p0 $0x0, s1;
	[sflag:s0] =	ssyncset.done @!p0 $0x0  }
0x147: {  	[sflag:s0] =	ssyncadd.s32 @!p0 s1  }
0x148: {  	[bflag:$0x3] =	sbarrier.arrive $0xFFFF  }
0x149: {  	_ =	shalt  }

</sc_bundles>
